<compile_context>
chip_gen: v7x
topology: tpu7x:2x2x1
jax: 0.10.2.dev20260603
libtpu: 0.0.44.dev20260713+nightly
codegen_flags: <defaults>
</compile_context>

<pallas_src>
import jax
import jax.numpy as jnp
from jax import lax
from jax.experimental import pallas as pl
from jax.experimental.pallas import tpu as pltpu
from jax.experimental.pallas import tpu_sc as plsc

N = 10000
E = 320000
D = 128
NCLS = 16
NG = 64

NC = 2
NS = 16
NW = NC * NS
EPT = E // NW
CH = 80
NCH = EPT // CH
N_PAD = 10000
RPT = N_PAD // NS
DDEG = 16

_mesh = plsc.VectorSubcoreMesh(core_axis_name="c", subcore_axis_name="s")
_sc_params = pltpu.CompilerParams(use_tc_tiling_on_sc=False)



CHD = 400
NCHD = EPT // CHD


def _sc_degree(dst_t):

    @pl.kernel(
        out_type=jax.ShapeDtypeStruct((NC, N_PAD, DDEG), jnp.float32),
        mesh=_mesh,
        compiler_params=_sc_params,
        scratch_types=[
            pltpu.VMEM((NCHD, CHD), jnp.int32),
            pltpu.VMEM((CHD, DDEG), jnp.float32),
            pltpu.VMEM_SHARED((N_PAD, DDEG), jnp.float32),
            pltpu.SemaphoreType.DMA,
        ],
    )
    def k(dst_hbm, out_hbm, dst_v, ones_v, acc_sh, sem):
        cid = lax.axis_index("c")
        sid = lax.axis_index("s")
        wid = cid * NS + sid
        pltpu.sync_copy(dst_hbm.at[wid], dst_v)

        zero16 = jnp.zeros((16,), jnp.float32)

        @pl.loop(0, CHD)
        def _(r):
            ones_v[r, :] = zero16

        pltpu.sync_copy(ones_v, acc_sh.at[pl.ds(sid * RPT, CHD)])
        pltpu.sync_copy(ones_v.at[pl.ds(0, 225)],
                        acc_sh.at[pl.ds(sid * RPT + 400, 225)])

        one16 = jnp.full((16,), 1.0, jnp.float32)

        @pl.loop(0, CHD)
        def _(r):
            ones_v[r, :] = one16

        plsc.subcore_barrier()

        @pl.loop(0, NCHD)
        def _(j):
            pltpu.sync_copy(ones_v, acc_sh.at[dst_v.at[j]], add=True)

        plsc.subcore_barrier()
        pltpu.sync_copy(acc_sh.at[pl.ds(sid * RPT, RPT)],
                        out_hbm.at[cid, pl.ds(sid * RPT, RPT)])

    return k(dst_t)


def _sc_aggregate(hs, src_t, dst_t):

    @pl.kernel(
        out_type=jax.ShapeDtypeStruct((NC, N_PAD, D), jnp.float32),
        mesh=_mesh,
        compiler_params=_sc_params,
        scratch_types=[
            pltpu.VMEM((NCH, CH), jnp.int32),
            pltpu.VMEM((NCH, CH), jnp.int32),
            pltpu.VMEM((CH, D), jnp.float32),
            pltpu.VMEM((CH, D), jnp.float32),
            pltpu.VMEM((CH, D), jnp.float32),
            pltpu.VMEM_SHARED((N_PAD, D), jnp.float32),
            pltpu.SemaphoreType.DMA,
            pltpu.SemaphoreType.DMA,
            pltpu.SemaphoreType.DMA,
        ],
    )
    def k(hs_hbm, src_hbm, dst_hbm, out_hbm,
          src_v, dst_v, rows_a, rows_b, rows_c, acc_sh,
          sem_a, sem_b, sem_c):
        cid = lax.axis_index("c")
        sid = lax.axis_index("s")
        wid = cid * NS + sid
        pltpu.sync_copy(src_hbm.at[wid], src_v)
        pltpu.sync_copy(dst_hbm.at[wid], dst_v)

        zero16 = jnp.zeros((16,), jnp.float32)

        @pl.loop(0, CH)
        def _(r):
            @pl.loop(0, D // 16)
            def _(c):
                rows_a[r, pl.ds(c * 16, 16)] = zero16

        @pl.loop(0, 7)
        def _(i):
            pltpu.sync_copy(rows_a, acc_sh.at[pl.ds(sid * RPT + i * CH, CH)])
        pltpu.sync_copy(rows_a.at[pl.ds(0, 65)],
                        acc_sh.at[pl.ds(sid * RPT + 560, 65)])

        plsc.subcore_barrier()

        def gather(j, buf, sem):
            pltpu.async_copy(hs_hbm.at[src_v.at[j]], buf, sem)

        def wait(j, buf, sem):
            pltpu.make_async_copy(hs_hbm.at[src_v.at[j]], buf, sem).wait()

        def scat(j, buf):
            pltpu.sync_copy(buf, acc_sh.at[dst_v.at[j]], add=True)

        bufs = ((rows_a, sem_a), (rows_b, sem_b), (rows_c, sem_c))
        gather(0, rows_a, sem_a)
        gather(1, rows_b, sem_b)

        @pl.loop(0, NCH - 2, step=3)
        def _(j):
            for t in range(3):
                buf, sem = bufs[t]
                nbuf, nsem = bufs[(t + 2) % 3]
                wait(j + t, buf, sem)
                gather(j + t + 2, nbuf, nsem)
                scat(j + t, buf)

        wait(NCH - 2, bufs[0][0], bufs[0][1])
        scat(NCH - 2, bufs[0][0])
        wait(NCH - 1, bufs[1][0], bufs[1][1])
        scat(NCH - 1, bufs[1][0])

        plsc.subcore_barrier()
        pltpu.sync_copy(acc_sh.at[pl.ds(sid * RPT, RPT)],
                        out_hbm.at[cid, pl.ds(sid * RPT, RPT)])

    return k(hs, src_t, dst_t)



def _tc_scale(x, W, degp):
    def body(x_ref, w_ref, degp_ref, hs_ref, dinv_ref):
        deg = degp_ref[0, :N, 0:1] + degp_ref[1, :N, 0:1]
        dinv = lax.rsqrt(1.0 + deg)
        dinv_ref[...] = dinv
        h = jnp.dot(x_ref[...], w_ref[...], preferred_element_type=jnp.float32)
        hs_ref[...] = h * dinv
    return pl.pallas_call(
        body,
        out_shape=(jax.ShapeDtypeStruct((N, D), jnp.float32),
                   jax.ShapeDtypeStruct((N, 1), jnp.float32)))(x, W, degp)


def _tc_layer_out(p, hs, dinv, b, W):
    def body(p_ref, hs_ref, dinv_ref, b_ref, w_ref, o_ref):
        agg = p_ref[0, :N, :] + p_ref[1, :N, :] + hs_ref[...]
        out = jnp.maximum(dinv_ref[...] * agg + b_ref[...], 0.0)
        o_ref[...] = dinv_ref[...] * jnp.dot(out, w_ref[...],
                                             preferred_element_type=jnp.float32)
    return pl.pallas_call(
        body, out_shape=jax.ShapeDtypeStruct((N, D), jnp.float32))(
            p, hs, dinv, b, W)


def _tc_head(q, hs, dinv, b, batch2d, Wlin, blin):
    def body(q_ref, hs_ref, dinv_ref, b_ref, batch_ref,
             wl_ref, bl_ref, o_ref):
        agg = q_ref[0, :N, :] + q_ref[1, :N, :] + hs_ref[...]
        out = jnp.maximum(dinv_ref[...] * agg + b_ref[...], 0.0)
        gids = lax.broadcasted_iota(jnp.int32, (NG, N), 0)
        P = (gids == batch_ref[...]).astype(jnp.float32)
        sums = jnp.dot(P, out, preferred_element_type=jnp.float32)
        counts = jnp.sum(P, axis=1, keepdims=True)
        pooled = sums / jnp.maximum(counts, 1.0)
        o_ref[...] = jnp.dot(pooled, wl_ref[...],
                             preferred_element_type=jnp.float32) + bl_ref[...]
    return pl.pallas_call(
        body, out_shape=jax.ShapeDtypeStruct((NG, NCLS), jnp.float32))(
            q, hs, dinv, b, batch2d, Wlin, blin)



@jax.jit
def kernel(x, edge_index, batch, W1, b1, W2, b2, Wlin, blin):
    src_t = edge_index[0].reshape(NW, NCH, CH)
    dst_t = edge_index[1].reshape(NW, NCH, CH)
    dst_deg = edge_index[1].reshape(NW, NCHD, CHD)
    batch2d = batch.reshape(1, N)
    b1r = b1.reshape(1, D)
    b2r = b2.reshape(1, D)

    degp = _sc_degree(dst_deg)
    hs1, dinv = _tc_scale(x, W1, degp)

    p = _sc_aggregate(hs1, src_t, dst_t)
    hs2 = _tc_layer_out(p, hs1, dinv, b1r, W2)

    q = _sc_aggregate(hs2, src_t, dst_t)
    return _tc_head(q, hs2, dinv, b2r, batch2d, Wlin, blin)

# --- scband reference (transcript-rebuilt; emitter-appended) ---
"""Pipeline reference for scband-simple-gnn-24103356465666 (READ-ONLY COPY).

The authoritative reference and input builder live on the scoring server;
editing this copy changes nothing except your own understanding.
"""

import jax, jax.numpy as jnp
import numpy as np

N_NODES = 10000
N_EDGES = 320000
D_IN = 128
D_HID = 128
D_OUT = 128
N_CLASSES = 16
N_GRAPHS = 64


def setup_inputs(seed: int = 0) -> dict:
    key = jax.random.key(seed)
    ks = jax.random.split(key, 10)
    x = jax.random.normal(ks[0], (N_NODES, D_IN), dtype=jnp.float32)
    edge_index = jax.random.randint(ks[1], (2, N_EDGES), 0, N_NODES, dtype=jnp.int32)
    batch = jnp.sort(jax.random.randint(ks[2], (N_NODES,), 0, N_GRAPHS, dtype=jnp.int32))
    # GCNConv layer 1 params (glorot-style init)
    W1 = jax.random.normal(ks[3], (D_IN, D_HID), dtype=jnp.float32) * (1.0 / np.sqrt(D_IN))
    b1 = jnp.zeros((D_HID,), dtype=jnp.float32)
    # GCNConv layer 2 params
    W2 = jax.random.normal(ks[4], (D_HID, D_OUT), dtype=jnp.float32) * (1.0 / np.sqrt(D_HID))
    b2 = jnp.zeros((D_OUT,), dtype=jnp.float32)
    # Final linear classifier
    Wlin = jax.random.normal(ks[5], (D_OUT, N_CLASSES), dtype=jnp.float32) * (1.0 / np.sqrt(D_OUT))
    blin = jnp.zeros((N_CLASSES,), dtype=jnp.float32)
    return {"x": x, "edge_index": edge_index, "batch": batch,
            "W1": W1, "b1": b1, "W2": W2, "b2": b2, "Wlin": Wlin, "blin": blin}


def gcn_conv(x, edge_index, W, b):
    # PyG GCNConv: add self-loops, symmetric normalization D^-1/2 (A+I) D^-1/2 X W + b
    n = x.shape[0]
    loop = jnp.arange(n, dtype=edge_index.dtype)
    src = jnp.concatenate([edge_index[0], loop])
    dst = jnp.concatenate([edge_index[1], loop])
    h = x @ W
    ones = jnp.ones(src.shape[0], dtype=jnp.float32)
    deg = jax.ops.segment_sum(ones, dst, num_segments=n)
    dinv = jnp.where(deg > 0, deg ** -0.5, 0.0)
    norm = dinv[src] * dinv[dst]
    msgs = h[src] * norm[:, None]
    out = jax.ops.segment_sum(msgs, dst, num_segments=n)
    return out + b


def global_mean_pool(x, batch, num_graphs):
    sums = jax.ops.segment_sum(x, batch, num_segments=num_graphs)
    counts = jax.ops.segment_sum(jnp.ones(x.shape[0], dtype=jnp.float32), batch, num_segments=num_graphs)
    return sums / jnp.maximum(counts, 1.0)[:, None]


def reference(x, edge_index, batch, W1, b1, W2, b2, Wlin, blin):
    h = gcn_conv(x, edge_index, W1, b1)
    h = jax.nn.relu(h)
    # dropout(p=0.05) is identity in eval mode
    h = gcn_conv(h, edge_index, W2, b2)
    h = jax.nn.relu(h)
    pooled = global_mean_pool(h, batch, N_GRAPHS)
    return pooled @ Wlin + blin

if __name__ == "__main__":
    import jax
    _d = setup_inputs()
    print(jax.jit(kernel)(*tuple(_d.values())))

</pallas_src>

<mosaic_0001>
#map = affine_map<(d0, d1) -> (0, 0)>
#map1 = affine_map<(d0, d1) -> (0, 0, 0)>
module attributes {stable_mosaic.version = 14 : i64} {
  func.func @k(%arg0: i32, %arg1: i32, %arg2: memref<10000x128xf32, #tpu.memory_space<hbm>>, %arg3: memref<32x125x80xi32, #tpu.memory_space<hbm>>, %arg4: memref<32x125x80xi32, #tpu.memory_space<hbm>>, %arg5: memref<2x10000x128xf32, #tpu.memory_space<hbm>>, %arg6: memref<125x80xi32, #tpu.memory_space<vmem>>, %arg7: memref<125x80xi32, #tpu.memory_space<vmem>>, %arg8: memref<80x128xf32, #tpu.memory_space<vmem>>, %arg9: memref<80x128xf32, #tpu.memory_space<vmem>>, %arg10: memref<80x128xf32, #tpu.memory_space<vmem>>, %arg11: memref<10000x128xf32, #tpu.memory_space<vmem_shared>>, %arg12: memref<!tpu.dma_semaphore, #tpu.memory_space<semaphore_mem>>, %arg13: memref<!tpu.dma_semaphore, #tpu.memory_space<semaphore_mem>>, %arg14: memref<!tpu.dma_semaphore, #tpu.memory_space<semaphore_mem>>) attributes {dimension_semantics = [#tpu.dimension_semantics<core_parallel>, #tpu.dimension_semantics<subcore_parallel>], iteration_bounds = array<i64: 2, 16>, scalar_prefetch = 0 : i64, scratch_operands = 9 : i64, tpu.core_type = #tpu.core_type<sc_vector_subcore>, window_params = [{transform_indices = #map}, {transform_indices = #map1}, {transform_indices = #map1}, {transform_indices = #map1}]} {
    %mul3A = arith.constant 16 : i32
    %mul3A_0 = arith.muli %arg0, %mul3A : i32
    %add3A = arith.addi %mul3A_0, %arg1 : i32
    "tpu.region"() ({
      %run_scoped3A_52 = tpu.sem_alloc : memref<!tpu.dma_semaphore, #tpu.memory_space<semaphore_mem>>
      %dma_start3A_53 = arith.constant 0 : i32
      %dma_start3A_54 = arith.constant 0 : i32
      %dma_start3A_55 = tpu.memref_slice %arg3[%add3A, %dma_start3A_53, %dma_start3A_54] : memref<32x125x80xi32, #tpu.memory_space<hbm>> -> memref<1x125x80xi32, #tpu.memory_space<hbm>>
      %dma_start3A_56 = tpu.memref_squeeze %dma_start3A_55 : memref<1x125x80xi32, #tpu.memory_space<hbm>> -> memref<125x80xi32, #tpu.memory_space<hbm>>
      %dma_start3A_57 = arith.constant 0 : i32
      %dma_start3A_58 = arith.constant 0 : i32
      %dma_start3A_59 = tpu.memref_slice %arg3[%add3A, %dma_start3A_57, %dma_start3A_58] : memref<32x125x80xi32, #tpu.memory_space<hbm>> -> memref<1x125x80xi32, #tpu.memory_space<hbm>>
      %dma_start3A_60 = tpu.memref_squeeze %dma_start3A_59 : memref<1x125x80xi32, #tpu.memory_space<hbm>> -> memref<125x80xi32, #tpu.memory_space<hbm>>
      tpu.enqueue_dma source(%dma_start3A_60 : memref<125x80xi32, #tpu.memory_space<hbm>>) target(%arg6 : memref<125x80xi32, #tpu.memory_space<vmem>>) target_semaphore(%run_scoped3A_52 : memref<!tpu.dma_semaphore, #tpu.memory_space<semaphore_mem>>)
      %dma_wait3A_61 = arith.constant 0 : i32
      %dma_wait3A_62 = arith.constant 0 : i32
      %dma_wait3A_63 = tpu.memref_slice %arg3[%add3A, %dma_wait3A_61, %dma_wait3A_62] : memref<32x125x80xi32, #tpu.memory_space<hbm>> -> memref<1x125x80xi32, #tpu.memory_space<hbm>>
      %dma_wait3A_64 = tpu.memref_squeeze %dma_wait3A_63 : memref<1x125x80xi32, #tpu.memory_space<hbm>> -> memref<125x80xi32, #tpu.memory_space<hbm>>
      %dma_wait3A_65 = arith.constant 0 : i32
      %dma_wait3A_66 = arith.constant 0 : i32
      %dma_wait3A_67 = tpu.memref_slice %arg3[%add3A, %dma_wait3A_65, %dma_wait3A_66] : memref<32x125x80xi32, #tpu.memory_space<hbm>> -> memref<1x125x80xi32, #tpu.memory_space<hbm>>
      %dma_wait3A_68 = tpu.memref_squeeze %dma_wait3A_67 : memref<1x125x80xi32, #tpu.memory_space<hbm>> -> memref<125x80xi32, #tpu.memory_space<hbm>>
      tpu.wait_dma2 semaphore(%run_scoped3A_52 : memref<!tpu.dma_semaphore, #tpu.memory_space<semaphore_mem>>) src(%dma_wait3A_68 : memref<125x80xi32, #tpu.memory_space<hbm>>) dst(%arg6 : memref<125x80xi32, #tpu.memory_space<vmem>>)
      tpu.yield
    }) : () -> ()
    "tpu.region"() ({
      %run_scoped3A_52 = tpu.sem_alloc : memref<!tpu.dma_semaphore, #tpu.memory_space<semaphore_mem>>
      %dma_start3A_53 = arith.constant 0 : i32
      %dma_start3A_54 = arith.constant 0 : i32
      %dma_start3A_55 = tpu.memref_slice %arg4[%add3A, %dma_start3A_53, %dma_start3A_54] : memref<32x125x80xi32, #tpu.memory_space<hbm>> -> memref<1x125x80xi32, #tpu.memory_space<hbm>>
      %dma_start3A_56 = tpu.memref_squeeze %dma_start3A_55 : memref<1x125x80xi32, #tpu.memory_space<hbm>> -> memref<125x80xi32, #tpu.memory_space<hbm>>
      %dma_start3A_57 = arith.constant 0 : i32
      %dma_start3A_58 = arith.constant 0 : i32
      %dma_start3A_59 = tpu.memref_slice %arg4[%add3A, %dma_start3A_57, %dma_start3A_58] : memref<32x125x80xi32, #tpu.memory_space<hbm>> -> memref<1x125x80xi32, #tpu.memory_space<hbm>>
      %dma_start3A_60 = tpu.memref_squeeze %dma_start3A_59 : memref<1x125x80xi32, #tpu.memory_space<hbm>> -> memref<125x80xi32, #tpu.memory_space<hbm>>
      tpu.enqueue_dma source(%dma_start3A_60 : memref<125x80xi32, #tpu.memory_space<hbm>>) target(%arg7 : memref<125x80xi32, #tpu.memory_space<vmem>>) target_semaphore(%run_scoped3A_52 : memref<!tpu.dma_semaphore, #tpu.memory_space<semaphore_mem>>)
      %dma_wait3A_61 = arith.constant 0 : i32
      %dma_wait3A_62 = arith.constant 0 : i32
      %dma_wait3A_63 = tpu.memref_slice %arg4[%add3A, %dma_wait3A_61, %dma_wait3A_62] : memref<32x125x80xi32, #tpu.memory_space<hbm>> -> memref<1x125x80xi32, #tpu.memory_space<hbm>>
      %dma_wait3A_64 = tpu.memref_squeeze %dma_wait3A_63 : memref<1x125x80xi32, #tpu.memory_space<hbm>> -> memref<125x80xi32, #tpu.memory_space<hbm>>
      %dma_wait3A_65 = arith.constant 0 : i32
      %dma_wait3A_66 = arith.constant 0 : i32
      %dma_wait3A_67 = tpu.memref_slice %arg4[%add3A, %dma_wait3A_65, %dma_wait3A_66] : memref<32x125x80xi32, #tpu.memory_space<hbm>> -> memref<1x125x80xi32, #tpu.memory_space<hbm>>
      %dma_wait3A_68 = tpu.memref_squeeze %dma_wait3A_67 : memref<1x125x80xi32, #tpu.memory_space<hbm>> -> memref<125x80xi32, #tpu.memory_space<hbm>>
      tpu.wait_dma2 semaphore(%run_scoped3A_52 : memref<!tpu.dma_semaphore, #tpu.memory_space<semaphore_mem>>) src(%dma_wait3A_68 : memref<125x80xi32, #tpu.memory_space<hbm>>) dst(%arg7 : memref<125x80xi32, #tpu.memory_space<vmem>>)
      tpu.yield
    }) : () -> ()
    %broadcast_in_dim3A = arith.constant 0.000000e+00 : f32
    %broadcast_in_dim3A_1 = vector.broadcast %broadcast_in_dim3A : f32 to vector<16xf32>
    %scan3A = arith.constant 0 : i32
    %scan3A_2 = arith.constant 80 : i32
    %scan3A_3 = arith.addi %scan3A, %scan3A_2 : i32
    %scan3A_4 = arith.constant 1 : i32
    scf.for %scan3A_52 = %scan3A to %scan3A_3 step %scan3A_4  : i32 {
      %mul3A_53 = arith.constant 1 : i32
      %mul3A_54 = arith.muli %scan3A_52, %mul3A_53 : i32
      %add3A_55 = arith.constant 0 : i32
      %add3A_56 = arith.addi %add3A_55, %mul3A_54 : i32
      %scan3A_57 = arith.constant 0 : i32
      %scan3A_58 = arith.constant 8 : i32
      %scan3A_59 = arith.addi %scan3A_57, %scan3A_58 : i32
      %scan3A_60 = arith.constant 1 : i32
      scf.for %scan3A_62 = %scan3A_57 to %scan3A_59 step %scan3A_60  : i32 {
        %mul3A_63 = arith.constant 1 : i32
        %mul3A_64 = arith.muli %scan3A_62, %mul3A_63 : i32
        %add3A_65 = arith.constant 0 : i32
        %add3A_66 = arith.addi %add3A_65, %mul3A_64 : i32
        %mul3A_67 = arith.constant 16 : i32
        %mul3A_68 = arith.muli %add3A_66, %mul3A_67 : i32
        %swap3A = arith.index_cast %add3A_56 : i32 to index
        %swap3A_69 = arith.index_cast %mul3A_68 : i32 to index
        %swap3A_70 = tpu.vector_load %arg8[%swap3A, %swap3A_69] {strides = array<i32>} : memref<80x128xf32, #tpu.memory_space<vmem>>, vector<1x16xf32>,
        %swap3A_71 = vector.shape_cast %swap3A_70 : vector<1x16xf32> to vector<16xf32>
        %swap3A_72 = vector.shape_cast %broadcast_in_dim3A_1 : vector<16xf32> to vector<1x16xf32>
        tpu.vector_store %arg8[%swap3A, %swap3A_69], %swap3A_72 {strides = array<i32>} : memref<80x128xf32, #tpu.memory_space<vmem>>, vector<1x16xf32>,
      }
      %scan3A_61 = arith.constant 8 : i32
    }
    %scan3A_5 = arith.constant 80 : i32
    %scan3A_6 = arith.constant 0 : i32
    %scan3A_7 = arith.constant 7 : i32
    %scan3A_8 = arith.addi %scan3A_6, %scan3A_7 : i32
    %scan3A_9 = arith.constant 1 : i32
    scf.for %scan3A_52 = %scan3A_6 to %scan3A_8 step %scan3A_9  : i32 {
      %mul3A_53 = arith.constant 1 : i32
      %mul3A_54 = arith.muli %scan3A_52, %mul3A_53 : i32
      %add3A_55 = arith.constant 0 : i32
      %add3A_56 = arith.addi %add3A_55, %mul3A_54 : i32
      %mul3A_57 = arith.constant 625 : i32
      %mul3A_58 = arith.muli %arg1, %mul3A_57 : i32
      %mul3A_59 = arith.constant 80 : i32
      %mul3A_60 = arith.muli %add3A_56, %mul3A_59 : i32
      %add3A_61 = arith.addi %mul3A_58, %mul3A_60 : i32
      "tpu.region"() ({
        %run_scoped3A_62 = tpu.sem_alloc : memref<!tpu.dma_semaphore, #tpu.memory_space<semaphore_mem>>
        %dma_start3A_63 = arith.constant 0 : i32
        %dma_start3A_64 = tpu.memref_slice %arg11[%add3A_61, %dma_start3A_63] : memref<10000x128xf32, #tpu.memory_space<vmem_shared>> -> memref<80x128xf32, #tpu.memory_space<vmem_shared>>
        %dma_start3A_65 = arith.constant 0 : i32
        %dma_start3A_66 = tpu.memref_slice %arg11[%add3A_61, %dma_start3A_65] : memref<10000x128xf32, #tpu.memory_space<vmem_shared>> -> memref<80x128xf32, #tpu.memory_space<vmem_shared>>
        tpu.enqueue_dma source(%arg8 : memref<80x128xf32, #tpu.memory_space<vmem>>) target(%dma_start3A_66 : memref<80x128xf32, #tpu.memory_space<vmem_shared>>) target_semaphore(%run_scoped3A_62 : memref<!tpu.dma_semaphore, #tpu.memory_space<semaphore_mem>>)
        %dma_wait3A_67 = arith.constant 0 : i32
        %dma_wait3A_68 = tpu.memref_slice %arg11[%add3A_61, %dma_wait3A_67] : memref<10000x128xf32, #tpu.memory_space<vmem_shared>> -> memref<80x128xf32, #tpu.memory_space<vmem_shared>>
        %dma_wait3A_69 = arith.constant 0 : i32
        %dma_wait3A_70 = tpu.memref_slice %arg11[%add3A_61, %dma_wait3A_69] : memref<10000x128xf32, #tpu.memory_space<vmem_shared>> -> memref<80x128xf32, #tpu.memory_space<vmem_shared>>
        tpu.wait_dma2 semaphore(%run_scoped3A_62 : memref<!tpu.dma_semaphore, #tpu.memory_space<semaphore_mem>>) src(%arg8 : memref<80x128xf32, #tpu.memory_space<vmem>>) dst(%dma_wait3A_70 : memref<80x128xf32, #tpu.memory_space<vmem_shared>>)
        tpu.yield
      }) : () -> ()
    }
    %scan3A_10 = arith.constant 7 : i32
    %mul3A_11 = arith.constant 625 : i32
    %mul3A_12 = arith.muli %arg1, %mul3A_11 : i32
    %add3A_13 = arith.constant 560 : i32
    %add3A_14 = arith.addi %mul3A_12, %add3A_13 : i32
    "tpu.region"() ({
      %run_scoped3A_52 = tpu.sem_alloc : memref<!tpu.dma_semaphore, #tpu.memory_space<semaphore_mem>>
      %dma_start3A_53 = arith.constant 0 : i32
      %dma_start3A_54 = arith.constant 0 : i32
      %dma_start3A_55 = tpu.memref_slice %arg8[%dma_start3A_53, %dma_start3A_54] : memref<80x128xf32, #tpu.memory_space<vmem>> -> memref<65x128xf32, #tpu.memory_space<vmem>>
      %dma_start3A_56 = arith.constant 0 : i32
      %dma_start3A_57 = tpu.memref_slice %arg11[%add3A_14, %dma_start3A_56] : memref<10000x128xf32, #tpu.memory_space<vmem_shared>> -> memref<65x128xf32, #tpu.memory_space<vmem_shared>>
      %dma_start3A_58 = arith.constant 0 : i32
      %dma_start3A_59 = tpu.memref_slice %arg11[%add3A_14, %dma_start3A_58] : memref<10000x128xf32, #tpu.memory_space<vmem_shared>> -> memref<65x128xf32, #tpu.memory_space<vmem_shared>>
      %dma_start3A_60 = arith.constant 0 : i32
      %dma_start3A_61 = arith.constant 0 : i32
      %dma_start3A_62 = tpu.memref_slice %arg8[%dma_start3A_60, %dma_start3A_61] : memref<80x128xf32, #tpu.memory_space<vmem>> -> memref<65x128xf32, #tpu.memory_space<vmem>>
      tpu.enqueue_dma source(%dma_start3A_62 : memref<65x128xf32, #tpu.memory_space<vmem>>) target(%dma_start3A_59 : memref<65x128xf32, #tpu.memory_space<vmem_shared>>) target_semaphore(%run_scoped3A_52 : memref<!tpu.dma_semaphore, #tpu.memory_space<semaphore_mem>>)
      %dma_wait3A_63 = arith.constant 0 : i32
      %dma_wait3A_64 = arith.constant 0 : i32
      %dma_wait3A_65 = tpu.memref_slice %arg8[%dma_wait3A_63, %dma_wait3A_64] : memref<80x128xf32, #tpu.memory_space<vmem>> -> memref<65x128xf32, #tpu.memory_space<vmem>>
      %dma_wait3A_66 = arith.constant 0 : i32
      %dma_wait3A_67 = tpu.memref_slice %arg11[%add3A_14, %dma_wait3A_66] : memref<10000x128xf32, #tpu.memory_space<vmem_shared>> -> memref<65x128xf32, #tpu.memory_space<vmem_shared>>
      %dma_wait3A_68 = arith.constant 0 : i32
      %dma_wait3A_69 = tpu.memref_slice %arg11[%add3A_14, %dma_wait3A_68] : memref<10000x128xf32, #tpu.memory_space<vmem_shared>> -> memref<65x128xf32, #tpu.memory_space<vmem_shared>>
      %dma_wait3A_70 = arith.constant 0 : i32
      %dma_wait3A_71 = arith.constant 0 : i32
      %dma_wait3A_72 = tpu.memref_slice %arg8[%dma_wait3A_70, %dma_wait3A_71] : memref<80x128xf32, #tpu.memory_space<vmem>> -> memref<65x128xf32, #tpu.memory_space<vmem>>
      tpu.wait_dma2 semaphore(%run_scoped3A_52 : memref<!tpu.dma_semaphore, #tpu.memory_space<semaphore_mem>>) src(%dma_wait3A_72 : memref<65x128xf32, #tpu.memory_space<vmem>>) dst(%dma_wait3A_69 : memref<65x128xf32, #tpu.memory_space<vmem_shared>>)
      tpu.yield
    }) : () -> ()
    %barrier3A = arith.constant 0 : index
    tpu.barrier barrier_id(%barrier3A)
    %dma_start3A = arith.constant 0 : i32
    %dma_start3A_15 = arith.constant 0 : i32
    %dma_start3A_16 = tpu.memref_slice %arg6[%dma_start3A, %dma_start3A_15] : memref<125x80xi32, #tpu.memory_space<vmem>> -> memref<1x80xi32, #tpu.memory_space<vmem>>
    %dma_start3A_17 = tpu.memref_squeeze %dma_start3A_16 : memref<1x80xi32, #tpu.memory_space<vmem>> -> memref<80xi32, #tpu.memory_space<vmem>>
    %dma_start3A_18 = arith.constant 0 : i32
    %dma_start3A_19 = arith.constant 0 : i32
    %dma_start3A_20 = tpu.memref_slice %arg2[%dma_start3A_18, %dma_start3A_19] : memref<10000x128xf32, #tpu.memory_space<hbm>> -> memref<10000x128xf32, #tpu.memory_space<hbm>>
    tpu.enqueue_indirect_dma source(%dma_start3A_20 : memref<10000x128xf32, #tpu.memory_space<hbm>>) target(%arg8 : memref<80x128xf32, #tpu.memory_space<vmem>>) offsets(%dma_start3A_17 : memref<80xi32, #tpu.memory_space<vmem>>) semaphore(%arg12 : memref<!tpu.dma_semaphore, #tpu.memory_space<semaphore_mem>>)
    %dma_start3A_21 = arith.constant 1 : i32
    %dma_start3A_22 = arith.constant 0 : i32
    %dma_start3A_23 = tpu.memref_slice %arg6[%dma_start3A_21, %dma_start3A_22] : memref<125x80xi32, #tpu.memory_space<vmem>> -> memref<1x80xi32, #tpu.memory_space<vmem>>
    %dma_start3A_24 = tpu.memref_squeeze %dma_start3A_23 : memref<1x80xi32, #tpu.memory_space<vmem>> -> memref<80xi32, #tpu.memory_space<vmem>>
    %dma_start3A_25 = arith.constant 0 : i32
    %dma_start3A_26 = arith.constant 0 : i32
    %dma_start3A_27 = tpu.memref_slice %arg2[%dma_start3A_25, %dma_start3A_26] : memref<10000x128xf32, #tpu.memory_space<hbm>> -> memref<10000x128xf32, #tpu.memory_space<hbm>>
    tpu.enqueue_indirect_dma source(%dma_start3A_27 : memref<10000x128xf32, #tpu.memory_space<hbm>>) target(%arg9 : memref<80x128xf32, #tpu.memory_space<vmem>>) offsets(%dma_start3A_24 : memref<80xi32, #tpu.memory_space<vmem>>) semaphore(%arg13 : memref<!tpu.dma_semaphore, #tpu.memory_space<semaphore_mem>>)
    %scan3A_28 = arith.constant 0 : i32
    %scan3A_29 = arith.constant 41 : i32
    %scan3A_30 = arith.addi %scan3A_28, %scan3A_29 : i32
    %scan3A_31 = arith.constant 1 : i32
    scf.for %scan3A_52 = %scan3A_28 to %scan3A_30 step %scan3A_31  : i32 {
      %mul3A_53 = arith.constant 3 : i32
      %mul3A_54 = arith.muli %scan3A_52, %mul3A_53 : i32
      %add3A_55 = arith.constant 0 : i32
      %add3A_56 = arith.addi %add3A_55, %mul3A_54 : i32
      %add3A_57 = arith.constant 0 : i32
      %add3A_58 = arith.addi %add3A_56, %add3A_57 : i32
      %dma_wait3A_59 = arith.constant 0 : i32
      %dma_wait3A_60 = tpu.memref_slice %arg6[%add3A_58, %dma_wait3A_59] : memref<125x80xi32, #tpu.memory_space<vmem>> -> memref<1x80xi32, #tpu.memory_space<vmem>>
      %dma_wait3A_61 = tpu.memref_squeeze %dma_wait3A_60 : memref<1x80xi32, #tpu.memory_space<vmem>> -> memref<80xi32, #tpu.memory_space<vmem>>
      %dma_wait3A_62 = arith.constant 0 : i32
      %dma_wait3A_63 = arith.constant 0 : i32
      %dma_wait3A_64 = tpu.memref_slice %arg2[%dma_wait3A_62, %dma_wait3A_63] : memref<10000x128xf32, #tpu.memory_space<hbm>> -> memref<10000x128xf32, #tpu.memory_space<hbm>>
      tpu.wait_indirect_dma semaphore(%arg12 : memref<!tpu.dma_semaphore, #tpu.memory_space<semaphore_mem>>) src(%dma_wait3A_64 : memref<10000x128xf32, #tpu.memory_space<hbm>>) dst(%arg8 : memref<80x128xf32, #tpu.memory_space<vmem>>)
      %add3A_65 = arith.constant 0 : i32
      %add3A_66 = arith.addi %add3A_56, %add3A_65 : i32
      %add3A_67 = arith.constant 2 : i32
      %add3A_68 = arith.addi %add3A_66, %add3A_67 : i32
      %dma_start3A_69 = arith.constant 0 : i32
      %dma_start3A_70 = tpu.memref_slice %arg6[%add3A_68, %dma_start3A_69] : memref<125x80xi32, #tpu.memory_space<vmem>> -> memref<1x80xi32, #tpu.memory_space<vmem>>
      %dma_start3A_71 = tpu.memref_squeeze %dma_start3A_70 : memref<1x80xi32, #tpu.memory_space<vmem>> -> memref<80xi32, #tpu.memory_space<vmem>>
      %dma_start3A_72 = arith.constant 0 : i32
      %dma_start3A_73 = arith.constant 0 : i32
      %dma_start3A_74 = tpu.memref_slice %arg2[%dma_start3A_72, %dma_start3A_73] : memref<10000x128xf32, #tpu.memory_space<hbm>> -> memref<10000x128xf32, #tpu.memory_space<hbm>>
      tpu.enqueue_indirect_dma source(%dma_start3A_74 : memref<10000x128xf32, #tpu.memory_space<hbm>>) target(%arg10 : memref<80x128xf32, #tpu.memory_space<vmem>>) offsets(%dma_start3A_71 : memref<80xi32, #tpu.memory_space<vmem>>) semaphore(%arg14 : memref<!tpu.dma_semaphore, #tpu.memory_space<semaphore_mem>>)
      %add3A_75 = arith.constant 0 : i32
      %add3A_76 = arith.addi %add3A_56, %add3A_75 : i32
      "tpu.region"() ({
        %run_scoped3A_117 = tpu.sem_alloc : memref<!tpu.dma_semaphore, #tpu.memory_space<semaphore_mem>>
        %dma_start3A_118 = arith.constant 0 : i32
        %dma_start3A_119 = tpu.memref_slice %arg7[%add3A_76, %dma_start3A_118] : memref<125x80xi32, #tpu.memory_space<vmem>> -> memref<1x80xi32, #tpu.memory_space<vmem>>
        %dma_start3A_120 = tpu.memref_squeeze %dma_start3A_119 : memref<1x80xi32, #tpu.memory_space<vmem>> -> memref<80xi32, #tpu.memory_space<vmem>>
        %dma_start3A_121 = arith.constant 0 : i32
        %dma_start3A_122 = arith.constant 0 : i32
        %dma_start3A_123 = tpu.memref_slice %arg11[%dma_start3A_121, %dma_start3A_122] : memref<10000x128xf32, #tpu.memory_space<vmem_shared>> -> memref<10000x128xf32, #tpu.memory_space<vmem_shared>>
        tpu.enqueue_indirect_dma source(%arg8 : memref<80x128xf32, #tpu.memory_space<vmem>>) target(%dma_start3A_123 : memref<10000x128xf32, #tpu.memory_space<vmem_shared>>) offsets(%dma_start3A_120 : memref<80xi32, #tpu.memory_space<vmem>>) semaphore(%run_scoped3A_117 : memref<!tpu.dma_semaphore, #tpu.memory_space<semaphore_mem>>) {add = true}
        %dma_wait3A_124 = arith.constant 0 : i32
        %dma_wait3A_125 = tpu.memref_slice %arg7[%add3A_76, %dma_wait3A_124] : memref<125x80xi32, #tpu.memory_space<vmem>> -> memref<1x80xi32, #tpu.memory_space<vmem>>
        %dma_wait3A_126 = tpu.memref_squeeze %dma_wait3A_125 : memref<1x80xi32, #tpu.memory_space<vmem>> -> memref<80xi32, #tpu.memory_space<vmem>>
        %dma_wait3A_127 = arith.constant 0 : i32
        %dma_wait3A_128 = arith.constant 0 : i32
        %dma_wait3A_129 = tpu.memref_slice %arg11[%dma_wait3A_127, %dma_wait3A_128] : memref<10000x128xf32, #tpu.memory_space<vmem_shared>> -> memref<10000x128xf32, #tpu.memory_space<vmem_shared>>
        tpu.wait_indirect_dma semaphore(%run_scoped3A_117 : memref<!tpu.dma_semaphore, #tpu.memory_space<semaphore_mem>>) src(%arg8 : memref<80x128xf32, #tpu.memory_space<vmem>>) dst(%dma_wait3A_129 : memref<10000x128xf32, #tpu.memory_space<vmem_shared>>)
        tpu.yield
      }) : () -> ()
      %add3A_77 = arith.constant 1 : i32
      %add3A_78 = arith.addi %add3A_56, %add3A_77 : i32
      %dma_wait3A_79 = arith.constant 0 : i32
      %dma_wait3A_80 = tpu.memref_slice %arg6[%add3A_78, %dma_wait3A_79] : memref<125x80xi32, #tpu.memory_space<vmem>> -> memref<1x80xi32, #tpu.memory_space<vmem>>
      %dma_wait3A_81 = tpu.memref_squeeze %dma_wait3A_80 : memref<1x80xi32, #tpu.memory_space<vmem>> -> memref<80xi32, #tpu.memory_space<vmem>>
      %dma_wait3A_82 = arith.constant 0 : i32
      %dma_wait3A_83 = arith.constant 0 : i32
      %dma_wait3A_84 = tpu.memref_slice %arg2[%dma_wait3A_82, %dma_wait3A_83] : memref<10000x128xf32, #tpu.memory_space<hbm>> -> memref<10000x128xf32, #tpu.memory_space<hbm>>
      tpu.wait_indirect_dma semaphore(%arg13 : memref<!tpu.dma_semaphore, #tpu.memory_space<semaphore_mem>>) src(%dma_wait3A_84 : memref<10000x128xf32, #tpu.memory_space<hbm>>) dst(%arg9 : memref<80x128xf32, #tpu.memory_space<vmem>>)
      %add3A_85 = arith.constant 1 : i32
      %add3A_86 = arith.addi %add3A_56, %add3A_85 : i32
      %add3A_87 = arith.constant 2 : i32
      %add3A_88 = arith.addi %add3A_86, %add3A_87 : i32
      %dma_start3A_89 = arith.constant 0 : i32
      %dma_start3A_90 = tpu.memref_slice %arg6[%add3A_88, %dma_start3A_89] : memref<125x80xi32, #tpu.memory_space<vmem>> -> memref<1x80xi32, #tpu.memory_space<vmem>>
      %dma_start3A_91 = tpu.memref_squeeze %dma_start3A_90 : memref<1x80xi32, #tpu.memory_space<vmem>> -> memref<80xi32, #tpu.memory_space<vmem>>
      %dma_start3A_92 = arith.constant 0 : i32
      %dma_start3A_93 = arith.constant 0 : i32
      %dma_start3A_94 = tpu.memref_slice %arg2[%dma_start3A_92, %dma_start3A_93] : memref<10000x128xf32, #tpu.memory_space<hbm>> -> memref<10000x128xf32, #tpu.memory_space<hbm>>
      tpu.enqueue_indirect_dma source(%dma_start3A_94 : memref<10000x128xf32, #tpu.memory_space<hbm>>) target(%arg8 : memref<80x128xf32, #tpu.memory_space<vmem>>) offsets(%dma_start3A_91 : memref<80xi32, #tpu.memory_space<vmem>>) semaphore(%arg12 : memref<!tpu.dma_semaphore, #tpu.memory_space<semaphore_mem>>)
      %add3A_95 = arith.constant 1 : i32
      %add3A_96 = arith.addi %add3A_56, %add3A_95 : i32
      "tpu.region"() ({
        %run_scoped3A_117 = tpu.sem_alloc : memref<!tpu.dma_semaphore, #tpu.memory_space<semaphore_mem>>
        %dma_start3A_118 = arith.constant 0 : i32
        %dma_start3A_119 = tpu.memref_slice %arg7[%add3A_96, %dma_start3A_118] : memref<125x80xi32, #tpu.memory_space<vmem>> -> memref<1x80xi32, #tpu.memory_space<vmem>>
        %dma_start3A_120 = tpu.memref_squeeze %dma_start3A_119 : memref<1x80xi32, #tpu.memory_space<vmem>> -> memref<80xi32, #tpu.memory_space<vmem>>
        %dma_start3A_121 = arith.constant 0 : i32
        %dma_start3A_122 = arith.constant 0 : i32
        %dma_start3A_123 = tpu.memref_slice %arg11[%dma_start3A_121, %dma_start3A_122] : memref<10000x128xf32, #tpu.memory_space<vmem_shared>> -> memref<10000x128xf32, #tpu.memory_space<vmem_shared>>
        tpu.enqueue_indirect_dma source(%arg9 : memref<80x128xf32, #tpu.memory_space<vmem>>) target(%dma_start3A_123 : memref<10000x128xf32, #tpu.memory_space<vmem_shared>>) offsets(%dma_start3A_120 : memref<80xi32, #tpu.memory_space<vmem>>) semaphore(%run_scoped3A_117 : memref<!tpu.dma_semaphore, #tpu.memory_space<semaphore_mem>>) {add = true}
        %dma_wait3A_124 = arith.constant 0 : i32
        %dma_wait3A_125 = tpu.memref_slice %arg7[%add3A_96, %dma_wait3A_124] : memref<125x80xi32, #tpu.memory_space<vmem>> -> memref<1x80xi32, #tpu.memory_space<vmem>>
        %dma_wait3A_126 = tpu.memref_squeeze %dma_wait3A_125 : memref<1x80xi32, #tpu.memory_space<vmem>> -> memref<80xi32, #tpu.memory_space<vmem>>
        %dma_wait3A_127 = arith.constant 0 : i32
        %dma_wait3A_128 = arith.constant 0 : i32
        %dma_wait3A_129 = tpu.memref_slice %arg11[%dma_wait3A_127, %dma_wait3A_128] : memref<10000x128xf32, #tpu.memory_space<vmem_shared>> -> memref<10000x128xf32, #tpu.memory_space<vmem_shared>>
        tpu.wait_indirect_dma semaphore(%run_scoped3A_117 : memref<!tpu.dma_semaphore, #tpu.memory_space<semaphore_mem>>) src(%arg9 : memref<80x128xf32, #tpu.memory_space<vmem>>) dst(%dma_wait3A_129 : memref<10000x128xf32, #tpu.memory_space<vmem_shared>>)
        tpu.yield
      }) : () -> ()
      %add3A_97 = arith.constant 2 : i32
      %add3A_98 = arith.addi %add3A_56, %add3A_97 : i32
      %dma_wait3A_99 = arith.constant 0 : i32
      %dma_wait3A_100 = tpu.memref_slice %arg6[%add3A_98, %dma_wait3A_99] : memref<125x80xi32, #tpu.memory_space<vmem>> -> memref<1x80xi32, #tpu.memory_space<vmem>>
      %dma_wait3A_101 = tpu.memref_squeeze %dma_wait3A_100 : memref<1x80xi32, #tpu.memory_space<vmem>> -> memref<80xi32, #tpu.memory_space<vmem>>
      %dma_wait3A_102 = arith.constant 0 : i32
      %dma_wait3A_103 = arith.constant 0 : i32
      %dma_wait3A_104 = tpu.memref_slice %arg2[%dma_wait3A_102, %dma_wait3A_103] : memref<10000x128xf32, #tpu.memory_space<hbm>> -> memref<10000x128xf32, #tpu.memory_space<hbm>>
      tpu.wait_indirect_dma semaphore(%arg14 : memref<!tpu.dma_semaphore, #tpu.memory_space<semaphore_mem>>) src(%dma_wait3A_104 : memref<10000x128xf32, #tpu.memory_space<hbm>>) dst(%arg10 : memref<80x128xf32, #tpu.memory_space<vmem>>)
      %add3A_105 = arith.constant 2 : i32
      %add3A_106 = arith.addi %add3A_56, %add3A_105 : i32
      %add3A_107 = arith.constant 2 : i32
      %add3A_108 = arith.addi %add3A_106, %add3A_107 : i32
      %dma_start3A_109 = arith.constant 0 : i32
      %dma_start3A_110 = tpu.memref_slice %arg6[%add3A_108, %dma_start3A_109] : memref<125x80xi32, #tpu.memory_space<vmem>> -> memref<1x80xi32, #tpu.memory_space<vmem>>
      %dma_start3A_111 = tpu.memref_squeeze %dma_start3A_110 : memref<1x80xi32, #tpu.memory_space<vmem>> -> memref<80xi32, #tpu.memory_space<vmem>>
      %dma_start3A_112 = arith.constant 0 : i32
      %dma_start3A_113 = arith.constant 0 : i32
      %dma_start3A_114 = tpu.memref_slice %arg2[%dma_start3A_112, %dma_start3A_113] : memref<10000x128xf32, #tpu.memory_space<hbm>> -> memref<10000x128xf32, #tpu.memory_space<hbm>>
      tpu.enqueue_indirect_dma source(%dma_start3A_114 : memref<10000x128xf32, #tpu.memory_space<hbm>>) target(%arg9 : memref<80x128xf32, #tpu.memory_space<vmem>>) offsets(%dma_start3A_111 : memref<80xi32, #tpu.memory_space<vmem>>) semaphore(%arg13 : memref<!tpu.dma_semaphore, #tpu.memory_space<semaphore_mem>>)
      %add3A_115 = arith.constant 2 : i32
      %add3A_116 = arith.addi %add3A_56, %add3A_115 : i32
      "tpu.region"() ({
        %run_scoped3A_117 = tpu.sem_alloc : memref<!tpu.dma_semaphore, #tpu.memory_space<semaphore_mem>>
        %dma_start3A_118 = arith.constant 0 : i32
        %dma_start3A_119 = tpu.memref_slice %arg7[%add3A_116, %dma_start3A_118] : memref<125x80xi32, #tpu.memory_space<vmem>> -> memref<1x80xi32, #tpu.memory_space<vmem>>
        %dma_start3A_120 = tpu.memref_squeeze %dma_start3A_119 : memref<1x80xi32, #tpu.memory_space<vmem>> -> memref<80xi32, #tpu.memory_space<vmem>>
        %dma_start3A_121 = arith.constant 0 : i32
        %dma_start3A_122 = arith.constant 0 : i32
        %dma_start3A_123 = tpu.memref_slice %arg11[%dma_start3A_121, %dma_start3A_122] : memref<10000x128xf32, #tpu.memory_space<vmem_shared>> -> memref<10000x128xf32, #tpu.memory_space<vmem_shared>>
        tpu.enqueue_indirect_dma source(%arg10 : memref<80x128xf32, #tpu.memory_space<vmem>>) target(%dma_start3A_123 : memref<10000x128xf32, #tpu.memory_space<vmem_shared>>) offsets(%dma_start3A_120 : memref<80xi32, #tpu.memory_space<vmem>>) semaphore(%run_scoped3A_117 : memref<!tpu.dma_semaphore, #tpu.memory_space<semaphore_mem>>) {add = true}
        %dma_wait3A_124 = arith.constant 0 : i32
        %dma_wait3A_125 = tpu.memref_slice %arg7[%add3A_116, %dma_wait3A_124] : memref<125x80xi32, #tpu.memory_space<vmem>> -> memref<1x80xi32, #tpu.memory_space<vmem>>
        %dma_wait3A_126 = tpu.memref_squeeze %dma_wait3A_125 : memref<1x80xi32, #tpu.memory_space<vmem>> -> memref<80xi32, #tpu.memory_space<vmem>>
        %dma_wait3A_127 = arith.constant 0 : i32
        %dma_wait3A_128 = arith.constant 0 : i32
        %dma_wait3A_129 = tpu.memref_slice %arg11[%dma_wait3A_127, %dma_wait3A_128] : memref<10000x128xf32, #tpu.memory_space<vmem_shared>> -> memref<10000x128xf32, #tpu.memory_space<vmem_shared>>
        tpu.wait_indirect_dma semaphore(%run_scoped3A_117 : memref<!tpu.dma_semaphore, #tpu.memory_space<semaphore_mem>>) src(%arg10 : memref<80x128xf32, #tpu.memory_space<vmem>>) dst(%dma_wait3A_129 : memref<10000x128xf32, #tpu.memory_space<vmem_shared>>)
        tpu.yield
      }) : () -> ()
    }
    %scan3A_32 = arith.constant 41 : i32
    %dma_wait3A = arith.constant 123 : i32
    %dma_wait3A_33 = arith.constant 0 : i32
    %dma_wait3A_34 = tpu.memref_slice %arg6[%dma_wait3A, %dma_wait3A_33] : memref<125x80xi32, #tpu.memory_space<vmem>> -> memref<1x80xi32, #tpu.memory_space<vmem>>
    %dma_wait3A_35 = tpu.memref_squeeze %dma_wait3A_34 : memref<1x80xi32, #tpu.memory_space<vmem>> -> memref<80xi32, #tpu.memory_space<vmem>>
    %dma_wait3A_36 = arith.constant 0 : i32
    %dma_wait3A_37 = arith.constant 0 : i32
    %dma_wait3A_38 = tpu.memref_slice %arg2[%dma_wait3A_36, %dma_wait3A_37] : memref<10000x128xf32, #tpu.memory_space<hbm>> -> memref<10000x128xf32, #tpu.memory_space<hbm>>
    tpu.wait_indirect_dma semaphore(%arg12 : memref<!tpu.dma_semaphore, #tpu.memory_space<semaphore_mem>>) src(%dma_wait3A_38 : memref<10000x128xf32, #tpu.memory_space<hbm>>) dst(%arg8 : memref<80x128xf32, #tpu.memory_space<vmem>>)
    %run_scoped3A = arith.constant 123 : i32
    "tpu.region"() ({
      %run_scoped3A_52 = tpu.sem_alloc : memref<!tpu.dma_semaphore, #tpu.memory_space<semaphore_mem>>
      %dma_start3A_53 = arith.constant 0 : i32
      %dma_start3A_54 = tpu.memref_slice %arg7[%run_scoped3A, %dma_start3A_53] : memref<125x80xi32, #tpu.memory_space<vmem>> -> memref<1x80xi32, #tpu.memory_space<vmem>>
      %dma_start3A_55 = tpu.memref_squeeze %dma_start3A_54 : memref<1x80xi32, #tpu.memory_space<vmem>> -> memref<80xi32, #tpu.memory_space<vmem>>
      %dma_start3A_56 = arith.constant 0 : i32
      %dma_start3A_57 = arith.constant 0 : i32
      %dma_start3A_58 = tpu.memref_slice %arg11[%dma_start3A_56, %dma_start3A_57] : memref<10000x128xf32, #tpu.memory_space<vmem_shared>> -> memref<10000x128xf32, #tpu.memory_space<vmem_shared>>
      tpu.enqueue_indirect_dma source(%arg8 : memref<80x128xf32, #tpu.memory_space<vmem>>) target(%dma_start3A_58 : memref<10000x128xf32, #tpu.memory_space<vmem_shared>>) offsets(%dma_start3A_55 : memref<80xi32, #tpu.memory_space<vmem>>) semaphore(%run_scoped3A_52 : memref<!tpu.dma_semaphore, #tpu.memory_space<semaphore_mem>>) {add = true}
      %dma_wait3A_59 = arith.constant 0 : i32
      %dma_wait3A_60 = tpu.memref_slice %arg7[%run_scoped3A, %dma_wait3A_59] : memref<125x80xi32, #tpu.memory_space<vmem>> -> memref<1x80xi32, #tpu.memory_space<vmem>>
      %dma_wait3A_61 = tpu.memref_squeeze %dma_wait3A_60 : memref<1x80xi32, #tpu.memory_space<vmem>> -> memref<80xi32, #tpu.memory_space<vmem>>
      %dma_wait3A_62 = arith.constant 0 : i32
      %dma_wait3A_63 = arith.constant 0 : i32
      %dma_wait3A_64 = tpu.memref_slice %arg11[%dma_wait3A_62, %dma_wait3A_63] : memref<10000x128xf32, #tpu.memory_space<vmem_shared>> -> memref<10000x128xf32, #tpu.memory_space<vmem_shared>>
      tpu.wait_indirect_dma semaphore(%run_scoped3A_52 : memref<!tpu.dma_semaphore, #tpu.memory_space<semaphore_mem>>) src(%arg8 : memref<80x128xf32, #tpu.memory_space<vmem>>) dst(%dma_wait3A_64 : memref<10000x128xf32, #tpu.memory_space<vmem_shared>>)
      tpu.yield
    }) : () -> ()
    %dma_wait3A_39 = arith.constant 124 : i32
    %dma_wait3A_40 = arith.constant 0 : i32
    %dma_wait3A_41 = tpu.memref_slice %arg6[%dma_wait3A_39, %dma_wait3A_40] : memref<125x80xi32, #tpu.memory_space<vmem>> -> memref<1x80xi32, #tpu.memory_space<vmem>>
    %dma_wait3A_42 = tpu.memref_squeeze %dma_wait3A_41 : memref<1x80xi32, #tpu.memory_space<vmem>> -> memref<80xi32, #tpu.memory_space<vmem>>
    %dma_wait3A_43 = arith.constant 0 : i32
    %dma_wait3A_44 = arith.constant 0 : i32
    %dma_wait3A_45 = tpu.memref_slice %arg2[%dma_wait3A_43, %dma_wait3A_44] : memref<10000x128xf32, #tpu.memory_space<hbm>> -> memref<10000x128xf32, #tpu.memory_space<hbm>>
    tpu.wait_indirect_dma semaphore(%arg13 : memref<!tpu.dma_semaphore, #tpu.memory_space<semaphore_mem>>) src(%dma_wait3A_45 : memref<10000x128xf32, #tpu.memory_space<hbm>>) dst(%arg9 : memref<80x128xf32, #tpu.memory_space<vmem>>)
    %run_scoped3A_46 = arith.constant 124 : i32
    "tpu.region"() ({
      %run_scoped3A_52 = tpu.sem_alloc : memref<!tpu.dma_semaphore, #tpu.memory_space<semaphore_mem>>
      %dma_start3A_53 = arith.constant 0 : i32
      %dma_start3A_54 = tpu.memref_slice %arg7[%run_scoped3A_46, %dma_start3A_53] : memref<125x80xi32, #tpu.memory_space<vmem>> -> memref<1x80xi32, #tpu.memory_space<vmem>>
      %dma_start3A_55 = tpu.memref_squeeze %dma_start3A_54 : memref<1x80xi32, #tpu.memory_space<vmem>> -> memref<80xi32, #tpu.memory_space<vmem>>
      %dma_start3A_56 = arith.constant 0 : i32
      %dma_start3A_57 = arith.constant 0 : i32
      %dma_start3A_58 = tpu.memref_slice %arg11[%dma_start3A_56, %dma_start3A_57] : memref<10000x128xf32, #tpu.memory_space<vmem_shared>> -> memref<10000x128xf32, #tpu.memory_space<vmem_shared>>
      tpu.enqueue_indirect_dma source(%arg9 : memref<80x128xf32, #tpu.memory_space<vmem>>) target(%dma_start3A_58 : memref<10000x128xf32, #tpu.memory_space<vmem_shared>>) offsets(%dma_start3A_55 : memref<80xi32, #tpu.memory_space<vmem>>) semaphore(%run_scoped3A_52 : memref<!tpu.dma_semaphore, #tpu.memory_space<semaphore_mem>>) {add = true}
      %dma_wait3A_59 = arith.constant 0 : i32
      %dma_wait3A_60 = tpu.memref_slice %arg7[%run_scoped3A_46, %dma_wait3A_59] : memref<125x80xi32, #tpu.memory_space<vmem>> -> memref<1x80xi32, #tpu.memory_space<vmem>>
      %dma_wait3A_61 = tpu.memref_squeeze %dma_wait3A_60 : memref<1x80xi32, #tpu.memory_space<vmem>> -> memref<80xi32, #tpu.memory_space<vmem>>
      %dma_wait3A_62 = arith.constant 0 : i32
      %dma_wait3A_63 = arith.constant 0 : i32
      %dma_wait3A_64 = tpu.memref_slice %arg11[%dma_wait3A_62, %dma_wait3A_63] : memref<10000x128xf32, #tpu.memory_space<vmem_shared>> -> memref<10000x128xf32, #tpu.memory_space<vmem_shared>>
      tpu.wait_indirect_dma semaphore(%run_scoped3A_52 : memref<!tpu.dma_semaphore, #tpu.memory_space<semaphore_mem>>) src(%arg9 : memref<80x128xf32, #tpu.memory_space<vmem>>) dst(%dma_wait3A_64 : memref<10000x128xf32, #tpu.memory_space<vmem_shared>>)
      tpu.yield
    }) : () -> ()
    %barrier3A_47 = arith.constant 0 : index
    tpu.barrier barrier_id(%barrier3A_47)
    %mul3A_48 = arith.constant 625 : i32
    %mul3A_49 = arith.muli %arg1, %mul3A_48 : i32
    %mul3A_50 = arith.constant 625 : i32
    %mul3A_51 = arith.muli %arg1, %mul3A_50 : i32
    "tpu.region"() ({
      %run_scoped3A_52 = tpu.sem_alloc : memref<!tpu.dma_semaphore, #tpu.memory_space<semaphore_mem>>
      %dma_start3A_53 = arith.constant 0 : i32
      %dma_start3A_54 = tpu.memref_slice %arg5[%arg0, %mul3A_51, %dma_start3A_53] : memref<2x10000x128xf32, #tpu.memory_space<hbm>> -> memref<1x625x128xf32, #tpu.memory_space<hbm>>
      %dma_start3A_55 = tpu.memref_squeeze %dma_start3A_54 : memref<1x625x128xf32, #tpu.memory_space<hbm>> -> memref<625x128xf32, #tpu.memory_space<hbm>>
      %dma_start3A_56 = arith.constant 0 : i32
      %dma_start3A_57 = tpu.memref_slice %arg11[%mul3A_49, %dma_start3A_56] : memref<10000x128xf32, #tpu.memory_space<vmem_shared>> -> memref<625x128xf32, #tpu.memory_space<vmem_shared>>
      tpu.enqueue_dma source(%dma_start3A_57 : memref<625x128xf32, #tpu.memory_space<vmem_shared>>) target(%dma_start3A_55 : memref<625x128xf32, #tpu.memory_space<hbm>>) target_semaphore(%run_scoped3A_52 : memref<!tpu.dma_semaphore, #tpu.memory_space<semaphore_mem>>)
      %dma_wait3A_58 = arith.constant 0 : i32
      %dma_wait3A_59 = tpu.memref_slice %arg5[%arg0, %mul3A_51, %dma_wait3A_58] : memref<2x10000x128xf32, #tpu.memory_space<hbm>> -> memref<1x625x128xf32, #tpu.memory_space<hbm>>
      %dma_wait3A_60 = tpu.memref_squeeze %dma_wait3A_59 : memref<1x625x128xf32, #tpu.memory_space<hbm>> -> memref<625x128xf32, #tpu.memory_space<hbm>>
      %dma_wait3A_61 = arith.constant 0 : i32
      %dma_wait3A_62 = tpu.memref_slice %arg11[%mul3A_49, %dma_wait3A_61] : memref<10000x128xf32, #tpu.memory_space<vmem_shared>> -> memref<625x128xf32, #tpu.memory_space<vmem_shared>>
      tpu.wait_dma2 semaphore(%run_scoped3A_52 : memref<!tpu.dma_semaphore, #tpu.memory_space<semaphore_mem>>) src(%dma_wait3A_62 : memref<625x128xf32, #tpu.memory_space<vmem_shared>>) dst(%dma_wait3A_60 : memref<625x128xf32, #tpu.memory_space<hbm>>)
      tpu.yield
    }) : () -> ()
    return
  }
}

#map = affine_map<(d0, d1) -> (0, 0)>
#map1 = affine_map<(d0, d1) -> (0, 0, 0)>
module attributes {stable_mosaic.version = 14 : i64} {
  func.func @k(%arg0: i32, %arg1: i32, %arg2: memref<10000x128xf32, #tpu.memory_space<hbm>>, %arg3: memref<32x125x80xi32, #tpu.memory_space<hbm>>, %arg4: memref<32x125x80xi32, #tpu.memory_space<hbm>>, %arg5: memref<2x10000x128xf32, #tpu.memory_space<hbm>>, %arg6: memref<125x80xi32, #tpu.memory_space<vmem>>, %arg7: memref<125x80xi32, #tpu.memory_space<vmem>>, %arg8: memref<80x128xf32, #tpu.memory_space<vmem>>, %arg9: memref<80x128xf32, #tpu.memory_space<vmem>>, %arg10: memref<80x128xf32, #tpu.memory_space<vmem>>, %arg11: memref<10000x128xf32, #tpu.memory_space<vmem_shared>>, %arg12: memref<!tpu.dma_semaphore, #tpu.memory_space<semaphore_mem>>, %arg13: memref<!tpu.dma_semaphore, #tpu.memory_space<semaphore_mem>>, %arg14: memref<!tpu.dma_semaphore, #tpu.memory_space<semaphore_mem>>) attributes {dimension_semantics = [#tpu.dimension_semantics<core_parallel>, #tpu.dimension_semantics<subcore_parallel>], iteration_bounds = array<i64: 2, 16>, scalar_prefetch = 0 : i64, scratch_operands = 9 : i64, tpu.core_type = #tpu.core_type<sc_vector_subcore>, window_params = [{transform_indices = #map}, {transform_indices = #map1}, {transform_indices = #map1}, {transform_indices = #map1}]} {
    %mul3A = arith.constant 16 : i32
    %mul3A_0 = arith.muli %arg0, %mul3A : i32
    %add3A = arith.addi %mul3A_0, %arg1 : i32
    "tpu.region"() ({
      %run_scoped3A_52 = tpu.sem_alloc : memref<!tpu.dma_semaphore, #tpu.memory_space<semaphore_mem>>
      %dma_start3A_53 = arith.constant 0 : i32
      %dma_start3A_54 = arith.constant 0 : i32
      %dma_start3A_55 = tpu.memref_slice %arg3[%add3A, %dma_start3A_53, %dma_start3A_54] : memref<32x125x80xi32, #tpu.memory_space<hbm>> -> memref<1x125x80xi32, #tpu.memory_space<hbm>>
      %dma_start3A_56 = tpu.memref_squeeze %dma_start3A_55 : memref<1x125x80xi32, #tpu.memory_space<hbm>> -> memref<125x80xi32, #tpu.memory_space<hbm>>
      %dma_start3A_57 = arith.constant 0 : i32
      %dma_start3A_58 = arith.constant 0 : i32
      %dma_start3A_59 = tpu.memref_slice %arg3[%add3A, %dma_start3A_57, %dma_start3A_58] : memref<32x125x80xi32, #tpu.memory_space<hbm>> -> memref<1x125x80xi32, #tpu.memory_space<hbm>>
      %dma_start3A_60 = tpu.memref_squeeze %dma_start3A_59 : memref<1x125x80xi32, #tpu.memory_space<hbm>> -> memref<125x80xi32, #tpu.memory_space<hbm>>
      tpu.enqueue_dma source(%dma_start3A_60 : memref<125x80xi32, #tpu.memory_space<hbm>>) target(%arg6 : memref<125x80xi32, #tpu.memory_space<vmem>>) target_semaphore(%run_scoped3A_52 : memref<!tpu.dma_semaphore, #tpu.memory_space<semaphore_mem>>)
      %dma_wait3A_61 = arith.constant 0 : i32
      %dma_wait3A_62 = arith.constant 0 : i32
      %dma_wait3A_63 = tpu.memref_slice %arg3[%add3A, %dma_wait3A_61, %dma_wait3A_62] : memref<32x125x80xi32, #tpu.memory_space<hbm>> -> memref<1x125x80xi32, #tpu.memory_space<hbm>>
      %dma_wait3A_64 = tpu.memref_squeeze %dma_wait3A_63 : memref<1x125x80xi32, #tpu.memory_space<hbm>> -> memref<125x80xi32, #tpu.memory_space<hbm>>
      %dma_wait3A_65 = arith.constant 0 : i32
      %dma_wait3A_66 = arith.constant 0 : i32
      %dma_wait3A_67 = tpu.memref_slice %arg3[%add3A, %dma_wait3A_65, %dma_wait3A_66] : memref<32x125x80xi32, #tpu.memory_space<hbm>> -> memref<1x125x80xi32, #tpu.memory_space<hbm>>
      %dma_wait3A_68 = tpu.memref_squeeze %dma_wait3A_67 : memref<1x125x80xi32, #tpu.memory_space<hbm>> -> memref<125x80xi32, #tpu.memory_space<hbm>>
      tpu.wait_dma2 semaphore(%run_scoped3A_52 : memref<!tpu.dma_semaphore, #tpu.memory_space<semaphore_mem>>) src(%dma_wait3A_68 : memref<125x80xi32, #tpu.memory_space<hbm>>) dst(%arg6 : memref<125x80xi32, #tpu.memory_space<vmem>>)
      tpu.yield
    }) : () -> ()
    "tpu.region"() ({
      %run_scoped3A_52 = tpu.sem_alloc : memref<!tpu.dma_semaphore, #tpu.memory_space<semaphore_mem>>
      %dma_start3A_53 = arith.constant 0 : i32
      %dma_start3A_54 = arith.constant 0 : i32
      %dma_start3A_55 = tpu.memref_slice %arg4[%add3A, %dma_start3A_53, %dma_start3A_54] : memref<32x125x80xi32, #tpu.memory_space<hbm>> -> memref<1x125x80xi32, #tpu.memory_space<hbm>>
      %dma_start3A_56 = tpu.memref_squeeze %dma_start3A_55 : memref<1x125x80xi32, #tpu.memory_space<hbm>> -> memref<125x80xi32, #tpu.memory_space<hbm>>
      %dma_start3A_57 = arith.constant 0 : i32
      %dma_start3A_58 = arith.constant 0 : i32
      %dma_start3A_59 = tpu.memref_slice %arg4[%add3A, %dma_start3A_57, %dma_start3A_58] : memref<32x125x80xi32, #tpu.memory_space<hbm>> -> memref<1x125x80xi32, #tpu.memory_space<hbm>>
      %dma_start3A_60 = tpu.memref_squeeze %dma_start3A_59 : memref<1x125x80xi32, #tpu.memory_space<hbm>> -> memref<125x80xi32, #tpu.memory_space<hbm>>
      tpu.enqueue_dma source(%dma_start3A_60 : memref<125x80xi32, #tpu.memory_space<hbm>>) target(%arg7 : memref<125x80xi32, #tpu.memory_space<vmem>>) target_semaphore(%run_scoped3A_52 : memref<!tpu.dma_semaphore, #tpu.memory_space<semaphore_mem>>)
      %dma_wait3A_61 = arith.constant 0 : i32
      %dma_wait3A_62 = arith.constant 0 : i32
      %dma_wait3A_63 = tpu.memref_slice %arg4[%add3A, %dma_wait3A_61, %dma_wait3A_62] : memref<32x125x80xi32, #tpu.memory_space<hbm>> -> memref<1x125x80xi32, #tpu.memory_space<hbm>>
      %dma_wait3A_64 = tpu.memref_squeeze %dma_wait3A_63 : memref<1x125x80xi32, #tpu.memory_space<hbm>> -> memref<125x80xi32, #tpu.memory_space<hbm>>
      %dma_wait3A_65 = arith.constant 0 : i32
      %dma_wait3A_66 = arith.constant 0 : i32
      %dma_wait3A_67 = tpu.memref_slice %arg4[%add3A, %dma_wait3A_65, %dma_wait3A_66] : memref<32x125x80xi32, #tpu.memory_space<hbm>> -> memref<1x125x80xi32, #tpu.memory_space<hbm>>
      %dma_wait3A_68 = tpu.memref_squeeze %dma_wait3A_67 : memref<1x125x80xi32, #tpu.memory_space<hbm>> -> memref<125x80xi32, #tpu.memory_space<hbm>>
      tpu.wait_dma2 semaphore(%run_scoped3A_52 : memref<!tpu.dma_semaphore, #tpu.memory_space<semaphore_mem>>) src(%dma_wait3A_68 : memref<125x80xi32, #tpu.memory_space<hbm>>) dst(%arg7 : memref<125x80xi32, #tpu.memory_space<vmem>>)
      tpu.yield
    }) : () -> ()
    %broadcast_in_dim3A = arith.constant 0.000000e+00 : f32
    %broadcast_in_dim3A_1 = vector.broadcast %broadcast_in_dim3A : f32 to vector<16xf32>
    %scan3A = arith.constant 0 : i32
    %scan3A_2 = arith.constant 80 : i32
    %scan3A_3 = arith.addi %scan3A, %scan3A_2 : i32
    %scan3A_4 = arith.constant 1 : i32
    scf.for %scan3A_52 = %scan3A to %scan3A_3 step %scan3A_4  : i32 {
      %mul3A_53 = arith.constant 1 : i32
      %mul3A_54 = arith.muli %scan3A_52, %mul3A_53 : i32
      %add3A_55 = arith.constant 0 : i32
      %add3A_56 = arith.addi %add3A_55, %mul3A_54 : i32
      %scan3A_57 = arith.constant 0 : i32
      %scan3A_58 = arith.constant 8 : i32
      %scan3A_59 = arith.addi %scan3A_57, %scan3A_58 : i32
      %scan3A_60 = arith.constant 1 : i32
      scf.for %scan3A_62 = %scan3A_57 to %scan3A_59 step %scan3A_60  : i32 {
        %mul3A_63 = arith.constant 1 : i32
        %mul3A_64 = arith.muli %scan3A_62, %mul3A_63 : i32
        %add3A_65 = arith.constant 0 : i32
        %add3A_66 = arith.addi %add3A_65, %mul3A_64 : i32
        %mul3A_67 = arith.constant 16 : i32
        %mul3A_68 = arith.muli %add3A_66, %mul3A_67 : i32
        %swap3A = arith.index_cast %add3A_56 : i32 to index
        %swap3A_69 = arith.index_cast %mul3A_68 : i32 to index
        %swap3A_70 = tpu.vector_load %arg8[%swap3A, %swap3A_69] {strides = array<i32>} : memref<80x128xf32, #tpu.memory_space<vmem>>, vector<1x16xf32>,
        %swap3A_71 = vector.shape_cast %swap3A_70 : vector<1x16xf32> to vector<16xf32>
        %swap3A_72 = vector.shape_cast %broadcast_in_dim3A_1 : vector<16xf32> to vector<1x16xf32>
        tpu.vector_store %arg8[%swap3A, %swap3A_69], %swap3A_72 {strides = array<i32>} : memref<80x128xf32, #tpu.memory_space<vmem>>, vector<1x16xf32>,
      }
      %scan3A_61 = arith.constant 8 : i32
    }
    %scan3A_5 = arith.constant 80 : i32
    %scan3A_6 = arith.constant 0 : i32
    %scan3A_7 = arith.constant 7 : i32
    %scan3A_8 = arith.addi %scan3A_6, %scan3A_7 : i32
    %scan3A_9 = arith.constant 1 : i32
    scf.for %scan3A_52 = %scan3A_6 to %scan3A_8 step %scan3A_9  : i32 {
      %mul3A_53 = arith.constant 1 : i32
      %mul3A_54 = arith.muli %scan3A_52, %mul3A_53 : i32
      %add3A_55 = arith.constant 0 : i32
      %add3A_56 = arith.addi %add3A_55, %mul3A_54 : i32
      %mul3A_57 = arith.constant 625 : i32
      %mul3A_58 = arith.muli %arg1, %mul3A_57 : i32
      %mul3A_59 = arith.constant 80 : i32
      %mul3A_60 = arith.muli %add3A_56, %mul3A_59 : i32
      %add3A_61 = arith.addi %mul3A_58, %mul3A_60 : i32
      "tpu.region"() ({
        %run_scoped3A_62 = tpu.sem_alloc : memref<!tpu.dma_semaphore, #tpu.memory_space<semaphore_mem>>
        %dma_start3A_63 = arith.constant 0 : i32
        %dma_start3A_64 = tpu.memref_slice %arg11[%add3A_61, %dma_start3A_63] : memref<10000x128xf32, #tpu.memory_space<vmem_shared>> -> memref<80x128xf32, #tpu.memory_space<vmem_shared>>
        %dma_start3A_65 = arith.constant 0 : i32
        %dma_start3A_66 = tpu.memref_slice %arg11[%add3A_61, %dma_start3A_65] : memref<10000x128xf32, #tpu.memory_space<vmem_shared>> -> memref<80x128xf32, #tpu.memory_space<vmem_shared>>
        tpu.enqueue_dma source(%arg8 : memref<80x128xf32, #tpu.memory_space<vmem>>) target(%dma_start3A_66 : memref<80x128xf32, #tpu.memory_space<vmem_shared>>) target_semaphore(%run_scoped3A_62 : memref<!tpu.dma_semaphore, #tpu.memory_space<semaphore_mem>>)
        %dma_wait3A_67 = arith.constant 0 : i32
        %dma_wait3A_68 = tpu.memref_slice %arg11[%add3A_61, %dma_wait3A_67] : memref<10000x128xf32, #tpu.memory_space<vmem_shared>> -> memref<80x128xf32, #tpu.memory_space<vmem_shared>>
        %dma_wait3A_69 = arith.constant 0 : i32
        %dma_wait3A_70 = tpu.memref_slice %arg11[%add3A_61, %dma_wait3A_69] : memref<10000x128xf32, #tpu.memory_space<vmem_shared>> -> memref<80x128xf32, #tpu.memory_space<vmem_shared>>
        tpu.wait_dma2 semaphore(%run_scoped3A_62 : memref<!tpu.dma_semaphore, #tpu.memory_space<semaphore_mem>>) src(%arg8 : memref<80x128xf32, #tpu.memory_space<vmem>>) dst(%dma_wait3A_70 : memref<80x128xf32, #tpu.memory_space<vmem_shared>>)
        tpu.yield
      }) : () -> ()
    }
    %scan3A_10 = arith.constant 7 : i32
    %mul3A_11 = arith.constant 625 : i32
    %mul3A_12 = arith.muli %arg1, %mul3A_11 : i32
    %add3A_13 = arith.constant 560 : i32
    %add3A_14 = arith.addi %mul3A_12, %add3A_13 : i32
    "tpu.region"() ({
      %run_scoped3A_52 = tpu.sem_alloc : memref<!tpu.dma_semaphore, #tpu.memory_space<semaphore_mem>>
      %dma_start3A_53 = arith.constant 0 : i32
      %dma_start3A_54 = arith.constant 0 : i32
      %dma_start3A_55 = tpu.memref_slice %arg8[%dma_start3A_53, %dma_start3A_54] : memref<80x128xf32, #tpu.memory_space<vmem>> -> memref<65x128xf32, #tpu.memory_space<vmem>>
      %dma_start3A_56 = arith.constant 0 : i32
      %dma_start3A_57 = tpu.memref_slice %arg11[%add3A_14, %dma_start3A_56] : memref<10000x128xf32, #tpu.memory_space<vmem_shared>> -> memref<65x128xf32, #tpu.memory_space<vmem_shared>>
      %dma_start3A_58 = arith.constant 0 : i32
      %dma_start3A_59 = tpu.memref_slice %arg11[%add3A_14, %dma_start3A_58] : memref<10000x128xf32, #tpu.memory_space<vmem_shared>> -> memref<65x128xf32, #tpu.memory_space<vmem_shared>>
      %dma_start3A_60 = arith.constant 0 : i32
      %dma_start3A_61 = arith.constant 0 : i32
      %dma_start3A_62 = tpu.memref_slice %arg8[%dma_start3A_60, %dma_start3A_61] : memref<80x128xf32, #tpu.memory_space<vmem>> -> memref<65x128xf32, #tpu.memory_space<vmem>>
      tpu.enqueue_dma source(%dma_start3A_62 : memref<65x128xf32, #tpu.memory_space<vmem>>) target(%dma_start3A_59 : memref<65x128xf32, #tpu.memory_space<vmem_shared>>) target_semaphore(%run_scoped3A_52 : memref<!tpu.dma_semaphore, #tpu.memory_space<semaphore_mem>>)
      %dma_wait3A_63 = arith.constant 0 : i32
      %dma_wait3A_64 = arith.constant 0 : i32
      %dma_wait3A_65 = tpu.memref_slice %arg8[%dma_wait3A_63, %dma_wait3A_64] : memref<80x128xf32, #tpu.memory_space<vmem>> -> memref<65x128xf32, #tpu.memory_space<vmem>>
      %dma_wait3A_66 = arith.constant 0 : i32
      %dma_wait3A_67 = tpu.memref_slice %arg11[%add3A_14, %dma_wait3A_66] : memref<10000x128xf32, #tpu.memory_space<vmem_shared>> -> memref<65x128xf32, #tpu.memory_space<vmem_shared>>
      %dma_wait3A_68 = arith.constant 0 : i32
      %dma_wait3A_69 = tpu.memref_slice %arg11[%add3A_14, %dma_wait3A_68] : memref<10000x128xf32, #tpu.memory_space<vmem_shared>> -> memref<65x128xf32, #tpu.memory_space<vmem_shared>>
      %dma_wait3A_70 = arith.constant 0 : i32
      %dma_wait3A_71 = arith.constant 0 : i32
      %dma_wait3A_72 = tpu.memref_slice %arg8[%dma_wait3A_70, %dma_wait3A_71] : memref<80x128xf32, #tpu.memory_space<vmem>> -> memref<65x128xf32, #tpu.memory_space<vmem>>
      tpu.wait_dma2 semaphore(%run_scoped3A_52 : memref<!tpu.dma_semaphore, #tpu.memory_space<semaphore_mem>>) src(%dma_wait3A_72 : memref<65x128xf32, #tpu.memory_space<vmem>>) dst(%dma_wait3A_69 : memref<65x128xf32, #tpu.memory_space<vmem_shared>>)
      tpu.yield
    }) : () -> ()
    %barrier3A = arith.constant 0 : index
    tpu.barrier barrier_id(%barrier3A)
    %dma_start3A = arith.constant 0 : i32
    %dma_start3A_15 = arith.constant 0 : i32
    %dma_start3A_16 = tpu.memref_slice %arg6[%dma_start3A, %dma_start3A_15] : memref<125x80xi32, #tpu.memory_space<vmem>> -> memref<1x80xi32, #tpu.memory_space<vmem>>
    %dma_start3A_17 = tpu.memref_squeeze %dma_start3A_16 : memref<1x80xi32, #tpu.memory_space<vmem>> -> memref<80xi32, #tpu.memory_space<vmem>>
    %dma_start3A_18 = arith.constant 0 : i32
    %dma_start3A_19 = arith.constant 0 : i32
    %dma_start3A_20 = tpu.memref_slice %arg2[%dma_start3A_18, %dma_start3A_19] : memref<10000x128xf32, #tpu.memory_space<hbm>> -> memref<10000x128xf32, #tpu.memory_space<hbm>>
    tpu.enqueue_indirect_dma source(%dma_start3A_20 : memref<10000x128xf32, #tpu.memory_space<hbm>>) target(%arg8 : memref<80x128xf32, #tpu.memory_space<vmem>>) offsets(%dma_start3A_17 : memref<80xi32, #tpu.memory_space<vmem>>) semaphore(%arg12 : memref<!tpu.dma_semaphore, #tpu.memory_space<semaphore_mem>>)
    %dma_start3A_21 = arith.constant 1 : i32
    %dma_start3A_22 = arith.constant 0 : i32
    %dma_start3A_23 = tpu.memref_slice %arg6[%dma_start3A_21, %dma_start3A_22] : memref<125x80xi32, #tpu.memory_space<vmem>> -> memref<1x80xi32, #tpu.memory_space<vmem>>
    %dma_start3A_24 = tpu.memref_squeeze %dma_start3A_23 : memref<1x80xi32, #tpu.memory_space<vmem>> -> memref<80xi32, #tpu.memory_space<vmem>>
    %dma_start3A_25 = arith.constant 0 : i32
    %dma_start3A_26 = arith.constant 0 : i32
    %dma_start3A_27 = tpu.memref_slice %arg2[%dma_start3A_25, %dma_start3A_26] : memref<10000x128xf32, #tpu.memory_space<hbm>> -> memref<10000x128xf32, #tpu.memory_space<hbm>>
    tpu.enqueue_indirect_dma source(%dma_start3A_27 : memref<10000x128xf32, #tpu.memory_space<hbm>>) target(%arg9 : memref<80x128xf32, #tpu.memory_space<vmem>>) offsets(%dma_start3A_24 : memref<80xi32, #tpu.memory_space<vmem>>) semaphore(%arg13 : memref<!tpu.dma_semaphore, #tpu.memory_space<semaphore_mem>>)
    %scan3A_28 = arith.constant 0 : i32
    %scan3A_29 = arith.constant 41 : i32
    %scan3A_30 = arith.addi %scan3A_28, %scan3A_29 : i32
    %scan3A_31 = arith.constant 1 : i32
    scf.for %scan3A_52 = %scan3A_28 to %scan3A_30 step %scan3A_31  : i32 {
      %mul3A_53 = arith.constant 3 : i32
      %mul3A_54 = arith.muli %scan3A_52, %mul3A_53 : i32
      %add3A_55 = arith.constant 0 : i32
      %add3A_56 = arith.addi %add3A_55, %mul3A_54 : i32
      %add3A_57 = arith.constant 0 : i32
      %add3A_58 = arith.addi %add3A_56, %add3A_57 : i32
      %dma_wait3A_59 = arith.constant 0 : i32
      %dma_wait3A_60 = tpu.memref_slice %arg6[%add3A_58, %dma_wait3A_59] : memref<125x80xi32, #tpu.memory_space<vmem>> -> memref<1x80xi32, #tpu.memory_space<vmem>>
      %dma_wait3A_61 = tpu.memref_squeeze %dma_wait3A_60 : memref<1x80xi32, #tpu.memory_space<vmem>> -> memref<80xi32, #tpu.memory_space<vmem>>
      %dma_wait3A_62 = arith.constant 0 : i32
      %dma_wait3A_63 = arith.constant 0 : i32
      %dma_wait3A_64 = tpu.memref_slice %arg2[%dma_wait3A_62, %dma_wait3A_63] : memref<10000x128xf32, #tpu.memory_space<hbm>> -> memref<10000x128xf32, #tpu.memory_space<hbm>>
      tpu.wait_indirect_dma semaphore(%arg12 : memref<!tpu.dma_semaphore, #tpu.memory_space<semaphore_mem>>) src(%dma_wait3A_64 : memref<10000x128xf32, #tpu.memory_space<hbm>>) dst(%arg8 : memref<80x128xf32, #tpu.memory_space<vmem>>)
      %add3A_65 = arith.constant 0 : i32
      %add3A_66 = arith.addi %add3A_56, %add3A_65 : i32
      %add3A_67 = arith.constant 2 : i32
      %add3A_68 = arith.addi %add3A_66, %add3A_67 : i32
      %dma_start3A_69 = arith.constant 0 : i32
      %dma_start3A_70 = tpu.memref_slice %arg6[%add3A_68, %dma_start3A_69] : memref<125x80xi32, #tpu.memory_space<vmem>> -> memref<1x80xi32, #tpu.memory_space<vmem>>
      %dma_start3A_71 = tpu.memref_squeeze %dma_start3A_70 : memref<1x80xi32, #tpu.memory_space<vmem>> -> memref<80xi32, #tpu.memory_space<vmem>>
      %dma_start3A_72 = arith.constant 0 : i32
      %dma_start3A_73 = arith.constant 0 : i32
      %dma_start3A_74 = tpu.memref_slice %arg2[%dma_start3A_72, %dma_start3A_73] : memref<10000x128xf32, #tpu.memory_space<hbm>> -> memref<10000x128xf32, #tpu.memory_space<hbm>>
      tpu.enqueue_indirect_dma source(%dma_start3A_74 : memref<10000x128xf32, #tpu.memory_space<hbm>>) target(%arg10 : memref<80x128xf32, #tpu.memory_space<vmem>>) offsets(%dma_start3A_71 : memref<80xi32, #tpu.memory_space<vmem>>) semaphore(%arg14 : memref<!tpu.dma_semaphore, #tpu.memory_space<semaphore_mem>>)
      %add3A_75 = arith.constant 0 : i32
      %add3A_76 = arith.addi %add3A_56, %add3A_75 : i32
      "tpu.region"() ({
        %run_scoped3A_117 = tpu.sem_alloc : memref<!tpu.dma_semaphore, #tpu.memory_space<semaphore_mem>>
        %dma_start3A_118 = arith.constant 0 : i32
        %dma_start3A_119 = tpu.memref_slice %arg7[%add3A_76, %dma_start3A_118] : memref<125x80xi32, #tpu.memory_space<vmem>> -> memref<1x80xi32, #tpu.memory_space<vmem>>
        %dma_start3A_120 = tpu.memref_squeeze %dma_start3A_119 : memref<1x80xi32, #tpu.memory_space<vmem>> -> memref<80xi32, #tpu.memory_space<vmem>>
        %dma_start3A_121 = arith.constant 0 : i32
        %dma_start3A_122 = arith.constant 0 : i32
        %dma_start3A_123 = tpu.memref_slice %arg11[%dma_start3A_121, %dma_start3A_122] : memref<10000x128xf32, #tpu.memory_space<vmem_shared>> -> memref<10000x128xf32, #tpu.memory_space<vmem_shared>>
        tpu.enqueue_indirect_dma source(%arg8 : memref<80x128xf32, #tpu.memory_space<vmem>>) target(%dma_start3A_123 : memref<10000x128xf32, #tpu.memory_space<vmem_shared>>) offsets(%dma_start3A_120 : memref<80xi32, #tpu.memory_space<vmem>>) semaphore(%run_scoped3A_117 : memref<!tpu.dma_semaphore, #tpu.memory_space<semaphore_mem>>) {add = true}
        %dma_wait3A_124 = arith.constant 0 : i32
        %dma_wait3A_125 = tpu.memref_slice %arg7[%add3A_76, %dma_wait3A_124] : memref<125x80xi32, #tpu.memory_space<vmem>> -> memref<1x80xi32, #tpu.memory_space<vmem>>
        %dma_wait3A_126 = tpu.memref_squeeze %dma_wait3A_125 : memref<1x80xi32, #tpu.memory_space<vmem>> -> memref<80xi32, #tpu.memory_space<vmem>>
        %dma_wait3A_127 = arith.constant 0 : i32
        %dma_wait3A_128 = arith.constant 0 : i32
        %dma_wait3A_129 = tpu.memref_slice %arg11[%dma_wait3A_127, %dma_wait3A_128] : memref<10000x128xf32, #tpu.memory_space<vmem_shared>> -> memref<10000x128xf32, #tpu.memory_space<vmem_shared>>
        tpu.wait_indirect_dma semaphore(%run_scoped3A_117 : memref<!tpu.dma_semaphore, #tpu.memory_space<semaphore_mem>>) src(%arg8 : memref<80x128xf32, #tpu.memory_space<vmem>>) dst(%dma_wait3A_129 : memref<10000x128xf32, #tpu.memory_space<vmem_shared>>)
        tpu.yield
      }) : () -> ()
      %add3A_77 = arith.constant 1 : i32
      %add3A_78 = arith.addi %add3A_56, %add3A_77 : i32
      %dma_wait3A_79 = arith.constant 0 : i32
      %dma_wait3A_80 = tpu.memref_slice %arg6[%add3A_78, %dma_wait3A_79] : memref<125x80xi32, #tpu.memory_space<vmem>> -> memref<1x80xi32, #tpu.memory_space<vmem>>
      %dma_wait3A_81 = tpu.memref_squeeze %dma_wait3A_80 : memref<1x80xi32, #tpu.memory_space<vmem>> -> memref<80xi32, #tpu.memory_space<vmem>>
      %dma_wait3A_82 = arith.constant 0 : i32
      %dma_wait3A_83 = arith.constant 0 : i32
      %dma_wait3A_84 = tpu.memref_slice %arg2[%dma_wait3A_82, %dma_wait3A_83] : memref<10000x128xf32, #tpu.memory_space<hbm>> -> memref<10000x128xf32, #tpu.memory_space<hbm>>
      tpu.wait_indirect_dma semaphore(%arg13 : memref<!tpu.dma_semaphore, #tpu.memory_space<semaphore_mem>>) src(%dma_wait3A_84 : memref<10000x128xf32, #tpu.memory_space<hbm>>) dst(%arg9 : memref<80x128xf32, #tpu.memory_space<vmem>>)
      %add3A_85 = arith.constant 1 : i32
      %add3A_86 = arith.addi %add3A_56, %add3A_85 : i32
      %add3A_87 = arith.constant 2 : i32
      %add3A_88 = arith.addi %add3A_86, %add3A_87 : i32
      %dma_start3A_89 = arith.constant 0 : i32
      %dma_start3A_90 = tpu.memref_slice %arg6[%add3A_88, %dma_start3A_89] : memref<125x80xi32, #tpu.memory_space<vmem>> -> memref<1x80xi32, #tpu.memory_space<vmem>>
      %dma_start3A_91 = tpu.memref_squeeze %dma_start3A_90 : memref<1x80xi32, #tpu.memory_space<vmem>> -> memref<80xi32, #tpu.memory_space<vmem>>
      %dma_start3A_92 = arith.constant 0 : i32
      %dma_start3A_93 = arith.constant 0 : i32
      %dma_start3A_94 = tpu.memref_slice %arg2[%dma_start3A_92, %dma_start3A_93] : memref<10000x128xf32, #tpu.memory_space<hbm>> -> memref<10000x128xf32, #tpu.memory_space<hbm>>
      tpu.enqueue_indirect_dma source(%dma_start3A_94 : memref<10000x128xf32, #tpu.memory_space<hbm>>) target(%arg8 : memref<80x128xf32, #tpu.memory_space<vmem>>) offsets(%dma_start3A_91 : memref<80xi32, #tpu.memory_space<vmem>>) semaphore(%arg12 : memref<!tpu.dma_semaphore, #tpu.memory_space<semaphore_mem>>)
      %add3A_95 = arith.constant 1 : i32
      %add3A_96 = arith.addi %add3A_56, %add3A_95 : i32
      "tpu.region"() ({
        %run_scoped3A_117 = tpu.sem_alloc : memref<!tpu.dma_semaphore, #tpu.memory_space<semaphore_mem>>
        %dma_start3A_118 = arith.constant 0 : i32
        %dma_start3A_119 = tpu.memref_slice %arg7[%add3A_96, %dma_start3A_118] : memref<125x80xi32, #tpu.memory_space<vmem>> -> memref<1x80xi32, #tpu.memory_space<vmem>>
        %dma_start3A_120 = tpu.memref_squeeze %dma_start3A_119 : memref<1x80xi32, #tpu.memory_space<vmem>> -> memref<80xi32, #tpu.memory_space<vmem>>
        %dma_start3A_121 = arith.constant 0 : i32
        %dma_start3A_122 = arith.constant 0 : i32
        %dma_start3A_123 = tpu.memref_slice %arg11[%dma_start3A_121, %dma_start3A_122] : memref<10000x128xf32, #tpu.memory_space<vmem_shared>> -> memref<10000x128xf32, #tpu.memory_space<vmem_shared>>
        tpu.enqueue_indirect_dma source(%arg9 : memref<80x128xf32, #tpu.memory_space<vmem>>) target(%dma_start3A_123 : memref<10000x128xf32, #tpu.memory_space<vmem_shared>>) offsets(%dma_start3A_120 : memref<80xi32, #tpu.memory_space<vmem>>) semaphore(%run_scoped3A_117 : memref<!tpu.dma_semaphore, #tpu.memory_space<semaphore_mem>>) {add = true}
        %dma_wait3A_124 = arith.constant 0 : i32
        %dma_wait3A_125 = tpu.memref_slice %arg7[%add3A_96, %dma_wait3A_124] : memref<125x80xi32, #tpu.memory_space<vmem>> -> memref<1x80xi32, #tpu.memory_space<vmem>>
        %dma_wait3A_126 = tpu.memref_squeeze %dma_wait3A_125 : memref<1x80xi32, #tpu.memory_space<vmem>> -> memref<80xi32, #tpu.memory_space<vmem>>
        %dma_wait3A_127 = arith.constant 0 : i32
        %dma_wait3A_128 = arith.constant 0 : i32
        %dma_wait3A_129 = tpu.memref_slice %arg11[%dma_wait3A_127, %dma_wait3A_128] : memref<10000x128xf32, #tpu.memory_space<vmem_shared>> -> memref<10000x128xf32, #tpu.memory_space<vmem_shared>>
        tpu.wait_indirect_dma semaphore(%run_scoped3A_117 : memref<!tpu.dma_semaphore, #tpu.memory_space<semaphore_mem>>) src(%arg9 : memref<80x128xf32, #tpu.memory_space<vmem>>) dst(%dma_wait3A_129 : memref<10000x128xf32, #tpu.memory_space<vmem_shared>>)
        tpu.yield
      }) : () -> ()
      %add3A_97 = arith.constant 2 : i32
      %add3A_98 = arith.addi %add3A_56, %add3A_97 : i32
      %dma_wait3A_99 = arith.constant 0 : i32
      %dma_wait3A_100 = tpu.memref_slice %arg6[%add3A_98, %dma_wait3A_99] : memref<125x80xi32, #tpu.memory_space<vmem>> -> memref<1x80xi32, #tpu.memory_space<vmem>>
      %dma_wait3A_101 = tpu.memref_squeeze %dma_wait3A_100 : memref<1x80xi32, #tpu.memory_space<vmem>> -> memref<80xi32, #tpu.memory_space<vmem>>
      %dma_wait3A_102 = arith.constant 0 : i32
      %dma_wait3A_103 = arith.constant 0 : i32
      %dma_wait3A_104 = tpu.memref_slice %arg2[%dma_wait3A_102, %dma_wait3A_103] : memref<10000x128xf32, #tpu.memory_space<hbm>> -> memref<10000x128xf32, #tpu.memory_space<hbm>>
      tpu.wait_indirect_dma semaphore(%arg14 : memref<!tpu.dma_semaphore, #tpu.memory_space<semaphore_mem>>) src(%dma_wait3A_104 : memref<10000x128xf32, #tpu.memory_space<hbm>>) dst(%arg10 : memref<80x128xf32, #tpu.memory_space<vmem>>)
      %add3A_105 = arith.constant 2 : i32
      %add3A_106 = arith.addi %add3A_56, %add3A_105 : i32
      %add3A_107 = arith.constant 2 : i32
      %add3A_108 = arith.addi %add3A_106, %add3A_107 : i32
      %dma_start3A_109 = arith.constant 0 : i32
      %dma_start3A_110 = tpu.memref_slice %arg6[%add3A_108, %dma_start3A_109] : memref<125x80xi32, #tpu.memory_space<vmem>> -> memref<1x80xi32, #tpu.memory_space<vmem>>
      %dma_start3A_111 = tpu.memref_squeeze %dma_start3A_110 : memref<1x80xi32, #tpu.memory_space<vmem>> -> memref<80xi32, #tpu.memory_space<vmem>>
      %dma_start3A_112 = arith.constant 0 : i32
      %dma_start3A_113 = arith.constant 0 : i32
      %dma_start3A_114 = tpu.memref_slice %arg2[%dma_start3A_112, %dma_start3A_113] : memref<10000x128xf32, #tpu.memory_space<hbm>> -> memref<10000x128xf32, #tpu.memory_space<hbm>>
      tpu.enqueue_indirect_dma source(%dma_start3A_114 : memref<10000x128xf32, #tpu.memory_space<hbm>>) target(%arg9 : memref<80x128xf32, #tpu.memory_space<vmem>>) offsets(%dma_start3A_111 : memref<80xi32, #tpu.memory_space<vmem>>) semaphore(%arg13 : memref<!tpu.dma_semaphore, #tpu.memory_space<semaphore_mem>>)
      %add3A_115 = arith.constant 2 : i32
      %add3A_116 = arith.addi %add3A_56, %add3A_115 : i32
      "tpu.region"() ({
        %run_scoped3A_117 = tpu.sem_alloc : memref<!tpu.dma_semaphore, #tpu.memory_space<semaphore_mem>>
        %dma_start3A_118 = arith.constant 0 : i32
        %dma_start3A_119 = tpu.memref_slice %arg7[%add3A_116, %dma_start3A_118] : memref<125x80xi32, #tpu.memory_space<vmem>> -> memref<1x80xi32, #tpu.memory_space<vmem>>
        %dma_start3A_120 = tpu.memref_squeeze %dma_start3A_119 : memref<1x80xi32, #tpu.memory_space<vmem>> -> memref<80xi32, #tpu.memory_space<vmem>>
        %dma_start3A_121 = arith.constant 0 : i32
        %dma_start3A_122 = arith.constant 0 : i32
        %dma_start3A_123 = tpu.memref_slice %arg11[%dma_start3A_121, %dma_start3A_122] : memref<10000x128xf32, #tpu.memory_space<vmem_shared>> -> memref<10000x128xf32, #tpu.memory_space<vmem_shared>>
        tpu.enqueue_indirect_dma source(%arg10 : memref<80x128xf32, #tpu.memory_space<vmem>>) target(%dma_start3A_123 : memref<10000x128xf32, #tpu.memory_space<vmem_shared>>) offsets(%dma_start3A_120 : memref<80xi32, #tpu.memory_space<vmem>>) semaphore(%run_scoped3A_117 : memref<!tpu.dma_semaphore, #tpu.memory_space<semaphore_mem>>) {add = true}
        %dma_wait3A_124 = arith.constant 0 : i32
        %dma_wait3A_125 = tpu.memref_slice %arg7[%add3A_116, %dma_wait3A_124] : memref<125x80xi32, #tpu.memory_space<vmem>> -> memref<1x80xi32, #tpu.memory_space<vmem>>
        %dma_wait3A_126 = tpu.memref_squeeze %dma_wait3A_125 : memref<1x80xi32, #tpu.memory_space<vmem>> -> memref<80xi32, #tpu.memory_space<vmem>>
        %dma_wait3A_127 = arith.constant 0 : i32
        %dma_wait3A_128 = arith.constant 0 : i32
        %dma_wait3A_129 = tpu.memref_slice %arg11[%dma_wait3A_127, %dma_wait3A_128] : memref<10000x128xf32, #tpu.memory_space<vmem_shared>> -> memref<10000x128xf32, #tpu.memory_space<vmem_shared>>
        tpu.wait_indirect_dma semaphore(%run_scoped3A_117 : memref<!tpu.dma_semaphore, #tpu.memory_space<semaphore_mem>>) src(%arg10 : memref<80x128xf32, #tpu.memory_space<vmem>>) dst(%dma_wait3A_129 : memref<10000x128xf32, #tpu.memory_space<vmem_shared>>)
        tpu.yield
      }) : () -> ()
    }
    %scan3A_32 = arith.constant 41 : i32
    %dma_wait3A = arith.constant 123 : i32
    %dma_wait3A_33 = arith.constant 0 : i32
    %dma_wait3A_34 = tpu.memref_slice %arg6[%dma_wait3A, %dma_wait3A_33] : memref<125x80xi32, #tpu.memory_space<vmem>> -> memref<1x80xi32, #tpu.memory_space<vmem>>
    %dma_wait3A_35 = tpu.memref_squeeze %dma_wait3A_34 : memref<1x80xi32, #tpu.memory_space<vmem>> -> memref<80xi32, #tpu.memory_space<vmem>>
    %dma_wait3A_36 = arith.constant 0 : i32
    %dma_wait3A_37 = arith.constant 0 : i32
    %dma_wait3A_38 = tpu.memref_slice %arg2[%dma_wait3A_36, %dma_wait3A_37] : memref<10000x128xf32, #tpu.memory_space<hbm>> -> memref<10000x128xf32, #tpu.memory_space<hbm>>
    tpu.wait_indirect_dma semaphore(%arg12 : memref<!tpu.dma_semaphore, #tpu.memory_space<semaphore_mem>>) src(%dma_wait3A_38 : memref<10000x128xf32, #tpu.memory_space<hbm>>) dst(%arg8 : memref<80x128xf32, #tpu.memory_space<vmem>>)
    %run_scoped3A = arith.constant 123 : i32
    "tpu.region"() ({
      %run_scoped3A_52 = tpu.sem_alloc : memref<!tpu.dma_semaphore, #tpu.memory_space<semaphore_mem>>
      %dma_start3A_53 = arith.constant 0 : i32
      %dma_start3A_54 = tpu.memref_slice %arg7[%run_scoped3A, %dma_start3A_53] : memref<125x80xi32, #tpu.memory_space<vmem>> -> memref<1x80xi32, #tpu.memory_space<vmem>>
      %dma_start3A_55 = tpu.memref_squeeze %dma_start3A_54 : memref<1x80xi32, #tpu.memory_space<vmem>> -> memref<80xi32, #tpu.memory_space<vmem>>
      %dma_start3A_56 = arith.constant 0 : i32
      %dma_start3A_57 = arith.constant 0 : i32
      %dma_start3A_58 = tpu.memref_slice %arg11[%dma_start3A_56, %dma_start3A_57] : memref<10000x128xf32, #tpu.memory_space<vmem_shared>> -> memref<10000x128xf32, #tpu.memory_space<vmem_shared>>
      tpu.enqueue_indirect_dma source(%arg8 : memref<80x128xf32, #tpu.memory_space<vmem>>) target(%dma_start3A_58 : memref<10000x128xf32, #tpu.memory_space<vmem_shared>>) offsets(%dma_start3A_55 : memref<80xi32, #tpu.memory_space<vmem>>) semaphore(%run_scoped3A_52 : memref<!tpu.dma_semaphore, #tpu.memory_space<semaphore_mem>>) {add = true}
      %dma_wait3A_59 = arith.constant 0 : i32
      %dma_wait3A_60 = tpu.memref_slice %arg7[%run_scoped3A, %dma_wait3A_59] : memref<125x80xi32, #tpu.memory_space<vmem>> -> memref<1x80xi32, #tpu.memory_space<vmem>>
      %dma_wait3A_61 = tpu.memref_squeeze %dma_wait3A_60 : memref<1x80xi32, #tpu.memory_space<vmem>> -> memref<80xi32, #tpu.memory_space<vmem>>
      %dma_wait3A_62 = arith.constant 0 : i32
      %dma_wait3A_63 = arith.constant 0 : i32
      %dma_wait3A_64 = tpu.memref_slice %arg11[%dma_wait3A_62, %dma_wait3A_63] : memref<10000x128xf32, #tpu.memory_space<vmem_shared>> -> memref<10000x128xf32, #tpu.memory_space<vmem_shared>>
      tpu.wait_indirect_dma semaphore(%run_scoped3A_52 : memref<!tpu.dma_semaphore, #tpu.memory_space<semaphore_mem>>) src(%arg8 : memref<80x128xf32, #tpu.memory_space<vmem>>) dst(%dma_wait3A_64 : memref<10000x128xf32, #tpu.memory_space<vmem_shared>>)
      tpu.yield
    }) : () -> ()
    %dma_wait3A_39 = arith.constant 124 : i32
    %dma_wait3A_40 = arith.constant 0 : i32
    %dma_wait3A_41 = tpu.memref_slice %arg6[%dma_wait3A_39, %dma_wait3A_40] : memref<125x80xi32, #tpu.memory_space<vmem>> -> memref<1x80xi32, #tpu.memory_space<vmem>>
    %dma_wait3A_42 = tpu.memref_squeeze %dma_wait3A_41 : memref<1x80xi32, #tpu.memory_space<vmem>> -> memref<80xi32, #tpu.memory_space<vmem>>
    %dma_wait3A_43 = arith.constant 0 : i32
    %dma_wait3A_44 = arith.constant 0 : i32
    %dma_wait3A_45 = tpu.memref_slice %arg2[%dma_wait3A_43, %dma_wait3A_44] : memref<10000x128xf32, #tpu.memory_space<hbm>> -> memref<10000x128xf32, #tpu.memory_space<hbm>>
    tpu.wait_indirect_dma semaphore(%arg13 : memref<!tpu.dma_semaphore, #tpu.memory_space<semaphore_mem>>) src(%dma_wait3A_45 : memref<10000x128xf32, #tpu.memory_space<hbm>>) dst(%arg9 : memref<80x128xf32, #tpu.memory_space<vmem>>)
    %run_scoped3A_46 = arith.constant 124 : i32
    "tpu.region"() ({
      %run_scoped3A_52 = tpu.sem_alloc : memref<!tpu.dma_semaphore, #tpu.memory_space<semaphore_mem>>
      %dma_start3A_53 = arith.constant 0 : i32
      %dma_start3A_54 = tpu.memref_slice %arg7[%run_scoped3A_46, %dma_start3A_53] : memref<125x80xi32, #tpu.memory_space<vmem>> -> memref<1x80xi32, #tpu.memory_space<vmem>>
      %dma_start3A_55 = tpu.memref_squeeze %dma_start3A_54 : memref<1x80xi32, #tpu.memory_space<vmem>> -> memref<80xi32, #tpu.memory_space<vmem>>
      %dma_start3A_56 = arith.constant 0 : i32
      %dma_start3A_57 = arith.constant 0 : i32
      %dma_start3A_58 = tpu.memref_slice %arg11[%dma_start3A_56, %dma_start3A_57] : memref<10000x128xf32, #tpu.memory_space<vmem_shared>> -> memref<10000x128xf32, #tpu.memory_space<vmem_shared>>
      tpu.enqueue_indirect_dma source(%arg9 : memref<80x128xf32, #tpu.memory_space<vmem>>) target(%dma_start3A_58 : memref<10000x128xf32, #tpu.memory_space<vmem_shared>>) offsets(%dma_start3A_55 : memref<80xi32, #tpu.memory_space<vmem>>) semaphore(%run_scoped3A_52 : memref<!tpu.dma_semaphore, #tpu.memory_space<semaphore_mem>>) {add = true}
      %dma_wait3A_59 = arith.constant 0 : i32
      %dma_wait3A_60 = tpu.memref_slice %arg7[%run_scoped3A_46, %dma_wait3A_59] : memref<125x80xi32, #tpu.memory_space<vmem>> -> memref<1x80xi32, #tpu.memory_space<vmem>>
      %dma_wait3A_61 = tpu.memref_squeeze %dma_wait3A_60 : memref<1x80xi32, #tpu.memory_space<vmem>> -> memref<80xi32, #tpu.memory_space<vmem>>
      %dma_wait3A_62 = arith.constant 0 : i32
      %dma_wait3A_63 = arith.constant 0 : i32
      %dma_wait3A_64 = tpu.memref_slice %arg11[%dma_wait3A_62, %dma_wait3A_63] : memref<10000x128xf32, #tpu.memory_space<vmem_shared>> -> memref<10000x128xf32, #tpu.memory_space<vmem_shared>>
      tpu.wait_indirect_dma semaphore(%run_scoped3A_52 : memref<!tpu.dma_semaphore, #tpu.memory_space<semaphore_mem>>) src(%arg9 : memref<80x128xf32, #tpu.memory_space<vmem>>) dst(%dma_wait3A_64 : memref<10000x128xf32, #tpu.memory_space<vmem_shared>>)
      tpu.yield
    }) : () -> ()
    %barrier3A_47 = arith.constant 0 : index
    tpu.barrier barrier_id(%barrier3A_47)
    %mul3A_48 = arith.constant 625 : i32
    %mul3A_49 = arith.muli %arg1, %mul3A_48 : i32
    %mul3A_50 = arith.constant 625 : i32
    %mul3A_51 = arith.muli %arg1, %mul3A_50 : i32
    "tpu.region"() ({
      %run_scoped3A_52 = tpu.sem_alloc : memref<!tpu.dma_semaphore, #tpu.memory_space<semaphore_mem>>
      %dma_start3A_53 = arith.constant 0 : i32
      %dma_start3A_54 = tpu.memref_slice %arg5[%arg0, %mul3A_51, %dma_start3A_53] : memref<2x10000x128xf32, #tpu.memory_space<hbm>> -> memref<1x625x128xf32, #tpu.memory_space<hbm>>
      %dma_start3A_55 = tpu.memref_squeeze %dma_start3A_54 : memref<1x625x128xf32, #tpu.memory_space<hbm>> -> memref<625x128xf32, #tpu.memory_space<hbm>>
      %dma_start3A_56 = arith.constant 0 : i32
      %dma_start3A_57 = tpu.memref_slice %arg11[%mul3A_49, %dma_start3A_56] : memref<10000x128xf32, #tpu.memory_space<vmem_shared>> -> memref<625x128xf32, #tpu.memory_space<vmem_shared>>
      tpu.enqueue_dma source(%dma_start3A_57 : memref<625x128xf32, #tpu.memory_space<vmem_shared>>) target(%dma_start3A_55 : memref<625x128xf32, #tpu.memory_space<hbm>>) target_semaphore(%run_scoped3A_52 : memref<!tpu.dma_semaphore, #tpu.memory_space<semaphore_mem>>)
      %dma_wait3A_58 = arith.constant 0 : i32
      %dma_wait3A_59 = tpu.memref_slice %arg5[%arg0, %mul3A_51, %dma_wait3A_58] : memref<2x10000x128xf32, #tpu.memory_space<hbm>> -> memref<1x625x128xf32, #tpu.memory_space<hbm>>
      %dma_wait3A_60 = tpu.memref_squeeze %dma_wait3A_59 : memref<1x625x128xf32, #tpu.memory_space<hbm>> -> memref<625x128xf32, #tpu.memory_space<hbm>>
      %dma_wait3A_61 = arith.constant 0 : i32
      %dma_wait3A_62 = tpu.memref_slice %arg11[%mul3A_49, %dma_wait3A_61] : memref<10000x128xf32, #tpu.memory_space<vmem_shared>> -> memref<625x128xf32, #tpu.memory_space<vmem_shared>>
      tpu.wait_dma2 semaphore(%run_scoped3A_52 : memref<!tpu.dma_semaphore, #tpu.memory_space<semaphore_mem>>) src(%dma_wait3A_62 : memref<625x128xf32, #tpu.memory_space<vmem_shared>>) dst(%dma_wait3A_60 : memref<625x128xf32, #tpu.memory_space<hbm>>)
      tpu.yield
    }) : () -> ()
    return
  }
}

#map = affine_map<(d0, d1) -> (0, 0, 0)>
module attributes {stable_mosaic.version = 14 : i64} {
  func.func @k(%arg0: i32, %arg1: i32, %arg2: memref<32x25x400xi32, #tpu.memory_space<hbm>>, %arg3: memref<2x10000x16xf32, #tpu.memory_space<hbm>>, %arg4: memref<25x400xi32, #tpu.memory_space<vmem>>, %arg5: memref<400x16xf32, #tpu.memory_space<vmem>>, %arg6: memref<10000x16xf32, #tpu.memory_space<vmem_shared>>, %arg7: memref<!tpu.dma_semaphore, #tpu.memory_space<semaphore_mem>>) attributes {dimension_semantics = [#tpu.dimension_semantics<core_parallel>, #tpu.dimension_semantics<subcore_parallel>], iteration_bounds = array<i64: 2, 16>, scalar_prefetch = 0 : i64, scratch_operands = 4 : i64, tpu.core_type = #tpu.core_type<sc_vector_subcore>, window_params = [{transform_indices = #map}, {transform_indices = #map}]} {
    %mul3A = arith.constant 16 : i32
    %mul3A_0 = arith.muli %arg0, %mul3A : i32
    %add3A = arith.addi %mul3A_0, %arg1 : i32
    "tpu.region"() ({
      %run_scoped3A = tpu.sem_alloc : memref<!tpu.dma_semaphore, #tpu.memory_space<semaphore_mem>>
      %dma_start3A = arith.constant 0 : i32
      %dma_start3A_29 = arith.constant 0 : i32
      %dma_start3A_30 = tpu.memref_slice %arg2[%add3A, %dma_start3A, %dma_start3A_29] : memref<32x25x400xi32, #tpu.memory_space<hbm>> -> memref<1x25x400xi32, #tpu.memory_space<hbm>>
      %dma_start3A_31 = tpu.memref_squeeze %dma_start3A_30 : memref<1x25x400xi32, #tpu.memory_space<hbm>> -> memref<25x400xi32, #tpu.memory_space<hbm>>
      %dma_start3A_32 = arith.constant 0 : i32
      %dma_start3A_33 = arith.constant 0 : i32
      %dma_start3A_34 = tpu.memref_slice %arg2[%add3A, %dma_start3A_32, %dma_start3A_33] : memref<32x25x400xi32, #tpu.memory_space<hbm>> -> memref<1x25x400xi32, #tpu.memory_space<hbm>>
      %dma_start3A_35 = tpu.memref_squeeze %dma_start3A_34 : memref<1x25x400xi32, #tpu.memory_space<hbm>> -> memref<25x400xi32, #tpu.memory_space<hbm>>
      tpu.enqueue_dma source(%dma_start3A_35 : memref<25x400xi32, #tpu.memory_space<hbm>>) target(%arg4 : memref<25x400xi32, #tpu.memory_space<vmem>>) target_semaphore(%run_scoped3A : memref<!tpu.dma_semaphore, #tpu.memory_space<semaphore_mem>>)
      %dma_wait3A = arith.constant 0 : i32
      %dma_wait3A_36 = arith.constant 0 : i32
      %dma_wait3A_37 = tpu.memref_slice %arg2[%add3A, %dma_wait3A, %dma_wait3A_36] : memref<32x25x400xi32, #tpu.memory_space<hbm>> -> memref<1x25x400xi32, #tpu.memory_space<hbm>>
      %dma_wait3A_38 = tpu.memref_squeeze %dma_wait3A_37 : memref<1x25x400xi32, #tpu.memory_space<hbm>> -> memref<25x400xi32, #tpu.memory_space<hbm>>
      %dma_wait3A_39 = arith.constant 0 : i32
      %dma_wait3A_40 = arith.constant 0 : i32
      %dma_wait3A_41 = tpu.memref_slice %arg2[%add3A, %dma_wait3A_39, %dma_wait3A_40] : memref<32x25x400xi32, #tpu.memory_space<hbm>> -> memref<1x25x400xi32, #tpu.memory_space<hbm>>
      %dma_wait3A_42 = tpu.memref_squeeze %dma_wait3A_41 : memref<1x25x400xi32, #tpu.memory_space<hbm>> -> memref<25x400xi32, #tpu.memory_space<hbm>>
      tpu.wait_dma2 semaphore(%run_scoped3A : memref<!tpu.dma_semaphore, #tpu.memory_space<semaphore_mem>>) src(%dma_wait3A_42 : memref<25x400xi32, #tpu.memory_space<hbm>>) dst(%arg4 : memref<25x400xi32, #tpu.memory_space<vmem>>)
      tpu.yield
    }) : () -> ()
    %broadcast_in_dim3A = arith.constant 0.000000e+00 : f32
    %broadcast_in_dim3A_1 = vector.broadcast %broadcast_in_dim3A : f32 to vector<16xf32>
    %scan3A = arith.constant 0 : i32
    %scan3A_2 = arith.constant 400 : i32
    %scan3A_3 = arith.addi %scan3A, %scan3A_2 : i32
    %scan3A_4 = arith.constant 1 : i32
    scf.for %scan3A_29 = %scan3A to %scan3A_3 step %scan3A_4  : i32 {
      %mul3A_30 = arith.constant 1 : i32
      %mul3A_31 = arith.muli %scan3A_29, %mul3A_30 : i32
      %add3A_32 = arith.constant 0 : i32
      %add3A_33 = arith.addi %add3A_32, %mul3A_31 : i32
      %swap3A = arith.index_cast %add3A_33 : i32 to index
      %swap3A_34 = arith.constant 0 : index
      %swap3A_35 = tpu.vector_load %arg5[%swap3A, %swap3A_34] {strides = array<i32>} : memref<400x16xf32, #tpu.memory_space<vmem>>, vector<1x16xf32>,
      %swap3A_36 = vector.shape_cast %swap3A_35 : vector<1x16xf32> to vector<16xf32>
      %swap3A_37 = vector.shape_cast %broadcast_in_dim3A_1 : vector<16xf32> to vector<1x16xf32>
      tpu.vector_store %arg5[%swap3A, %swap3A_34], %swap3A_37 {strides = array<i32>} : memref<400x16xf32, #tpu.memory_space<vmem>>, vector<1x16xf32>,
    }
    %scan3A_5 = arith.constant 400 : i32
    %mul3A_6 = arith.constant 625 : i32
    %mul3A_7 = arith.muli %arg1, %mul3A_6 : i32
    "tpu.region"() ({
      %run_scoped3A = tpu.sem_alloc : memref<!tpu.dma_semaphore, #tpu.memory_space<semaphore_mem>>
      %dma_start3A = arith.constant 0 : i32
      %dma_start3A_29 = tpu.memref_slice %arg6[%mul3A_7, %dma_start3A] : memref<10000x16xf32, #tpu.memory_space<vmem_shared>> -> memref<400x16xf32, #tpu.memory_space<vmem_shared>>
      %dma_start3A_30 = arith.constant 0 : i32
      %dma_start3A_31 = tpu.memref_slice %arg6[%mul3A_7, %dma_start3A_30] : memref<10000x16xf32, #tpu.memory_space<vmem_shared>> -> memref<400x16xf32, #tpu.memory_space<vmem_shared>>
      tpu.enqueue_dma source(%arg5 : memref<400x16xf32, #tpu.memory_space<vmem>>) target(%dma_start3A_31 : memref<400x16xf32, #tpu.memory_space<vmem_shared>>) target_semaphore(%run_scoped3A : memref<!tpu.dma_semaphore, #tpu.memory_space<semaphore_mem>>)
      %dma_wait3A = arith.constant 0 : i32
      %dma_wait3A_32 = tpu.memref_slice %arg6[%mul3A_7, %dma_wait3A] : memref<10000x16xf32, #tpu.memory_space<vmem_shared>> -> memref<400x16xf32, #tpu.memory_space<vmem_shared>>
      %dma_wait3A_33 = arith.constant 0 : i32
      %dma_wait3A_34 = tpu.memref_slice %arg6[%mul3A_7, %dma_wait3A_33] : memref<10000x16xf32, #tpu.memory_space<vmem_shared>> -> memref<400x16xf32, #tpu.memory_space<vmem_shared>>
      tpu.wait_dma2 semaphore(%run_scoped3A : memref<!tpu.dma_semaphore, #tpu.memory_space<semaphore_mem>>) src(%arg5 : memref<400x16xf32, #tpu.memory_space<vmem>>) dst(%dma_wait3A_34 : memref<400x16xf32, #tpu.memory_space<vmem_shared>>)
      tpu.yield
    }) : () -> ()
    %mul3A_8 = arith.constant 625 : i32
    %mul3A_9 = arith.muli %arg1, %mul3A_8 : i32
    %add3A_10 = arith.constant 400 : i32
    %add3A_11 = arith.addi %mul3A_9, %add3A_10 : i32
    "tpu.region"() ({
      %run_scoped3A = tpu.sem_alloc : memref<!tpu.dma_semaphore, #tpu.memory_space<semaphore_mem>>
      %dma_start3A = arith.constant 0 : i32
      %dma_start3A_29 = arith.constant 0 : i32
      %dma_start3A_30 = tpu.memref_slice %arg5[%dma_start3A, %dma_start3A_29] : memref<400x16xf32, #tpu.memory_space<vmem>> -> memref<225x16xf32, #tpu.memory_space<vmem>>
      %dma_start3A_31 = arith.constant 0 : i32
      %dma_start3A_32 = tpu.memref_slice %arg6[%add3A_11, %dma_start3A_31] : memref<10000x16xf32, #tpu.memory_space<vmem_shared>> -> memref<225x16xf32, #tpu.memory_space<vmem_shared>>
      %dma_start3A_33 = arith.constant 0 : i32
      %dma_start3A_34 = tpu.memref_slice %arg6[%add3A_11, %dma_start3A_33] : memref<10000x16xf32, #tpu.memory_space<vmem_shared>> -> memref<225x16xf32, #tpu.memory_space<vmem_shared>>
      %dma_start3A_35 = arith.constant 0 : i32
      %dma_start3A_36 = arith.constant 0 : i32
      %dma_start3A_37 = tpu.memref_slice %arg5[%dma_start3A_35, %dma_start3A_36] : memref<400x16xf32, #tpu.memory_space<vmem>> -> memref<225x16xf32, #tpu.memory_space<vmem>>
      tpu.enqueue_dma source(%dma_start3A_37 : memref<225x16xf32, #tpu.memory_space<vmem>>) target(%dma_start3A_34 : memref<225x16xf32, #tpu.memory_space<vmem_shared>>) target_semaphore(%run_scoped3A : memref<!tpu.dma_semaphore, #tpu.memory_space<semaphore_mem>>)
      %dma_wait3A = arith.constant 0 : i32
      %dma_wait3A_38 = arith.constant 0 : i32
      %dma_wait3A_39 = tpu.memref_slice %arg5[%dma_wait3A, %dma_wait3A_38] : memref<400x16xf32, #tpu.memory_space<vmem>> -> memref<225x16xf32, #tpu.memory_space<vmem>>
      %dma_wait3A_40 = arith.constant 0 : i32
      %dma_wait3A_41 = tpu.memref_slice %arg6[%add3A_11, %dma_wait3A_40] : memref<10000x16xf32, #tpu.memory_space<vmem_shared>> -> memref<225x16xf32, #tpu.memory_space<vmem_shared>>
      %dma_wait3A_42 = arith.constant 0 : i32
      %dma_wait3A_43 = tpu.memref_slice %arg6[%add3A_11, %dma_wait3A_42] : memref<10000x16xf32, #tpu.memory_space<vmem_shared>> -> memref<225x16xf32, #tpu.memory_space<vmem_shared>>
      %dma_wait3A_44 = arith.constant 0 : i32
      %dma_wait3A_45 = arith.constant 0 : i32
      %dma_wait3A_46 = tpu.memref_slice %arg5[%dma_wait3A_44, %dma_wait3A_45] : memref<400x16xf32, #tpu.memory_space<vmem>> -> memref<225x16xf32, #tpu.memory_space<vmem>>
      tpu.wait_dma2 semaphore(%run_scoped3A : memref<!tpu.dma_semaphore, #tpu.memory_space<semaphore_mem>>) src(%dma_wait3A_46 : memref<225x16xf32, #tpu.memory_space<vmem>>) dst(%dma_wait3A_43 : memref<225x16xf32, #tpu.memory_space<vmem_shared>>)
      tpu.yield
    }) : () -> ()
    %broadcast_in_dim3A_12 = arith.constant 1.000000e+00 : f32
    %broadcast_in_dim3A_13 = vector.broadcast %broadcast_in_dim3A_12 : f32 to vector<16xf32>
    %scan3A_14 = arith.constant 0 : i32
    %scan3A_15 = arith.constant 400 : i32
    %scan3A_16 = arith.addi %scan3A_14, %scan3A_15 : i32
    %scan3A_17 = arith.constant 1 : i32
    scf.for %scan3A_29 = %scan3A_14 to %scan3A_16 step %scan3A_17  : i32 {
      %mul3A_30 = arith.constant 1 : i32
      %mul3A_31 = arith.muli %scan3A_29, %mul3A_30 : i32
      %add3A_32 = arith.constant 0 : i32
      %add3A_33 = arith.addi %add3A_32, %mul3A_31 : i32
      %swap3A = arith.index_cast %add3A_33 : i32 to index
      %swap3A_34 = arith.constant 0 : index
      %swap3A_35 = tpu.vector_load %arg5[%swap3A, %swap3A_34] {strides = array<i32>} : memref<400x16xf32, #tpu.memory_space<vmem>>, vector<1x16xf32>,
      %swap3A_36 = vector.shape_cast %swap3A_35 : vector<1x16xf32> to vector<16xf32>
      %swap3A_37 = vector.shape_cast %broadcast_in_dim3A_13 : vector<16xf32> to vector<1x16xf32>
      tpu.vector_store %arg5[%swap3A, %swap3A_34], %swap3A_37 {strides = array<i32>} : memref<400x16xf32, #tpu.memory_space<vmem>>, vector<1x16xf32>,
    }
    %scan3A_18 = arith.constant 400 : i32
    %barrier3A = arith.constant 0 : index
    tpu.barrier barrier_id(%barrier3A)
    %scan3A_19 = arith.constant 0 : i32
    %scan3A_20 = arith.constant 25 : i32
    %scan3A_21 = arith.addi %scan3A_19, %scan3A_20 : i32
    %scan3A_22 = arith.constant 1 : i32
    scf.for %scan3A_29 = %scan3A_19 to %scan3A_21 step %scan3A_22  : i32 {
      %mul3A_30 = arith.constant 1 : i32
      %mul3A_31 = arith.muli %scan3A_29, %mul3A_30 : i32
      %add3A_32 = arith.constant 0 : i32
      %add3A_33 = arith.addi %add3A_32, %mul3A_31 : i32
      "tpu.region"() ({
        %run_scoped3A = tpu.sem_alloc : memref<!tpu.dma_semaphore, #tpu.memory_space<semaphore_mem>>
        %dma_start3A = arith.constant 0 : i32
        %dma_start3A_34 = tpu.memref_slice %arg4[%add3A_33, %dma_start3A] : memref<25x400xi32, #tpu.memory_space<vmem>> -> memref<1x400xi32, #tpu.memory_space<vmem>>
        %dma_start3A_35 = tpu.memref_squeeze %dma_start3A_34 : memref<1x400xi32, #tpu.memory_space<vmem>> -> memref<400xi32, #tpu.memory_space<vmem>>
        %dma_start3A_36 = arith.constant 0 : i32
        %dma_start3A_37 = arith.constant 0 : i32
        %dma_start3A_38 = tpu.memref_slice %arg6[%dma_start3A_36, %dma_start3A_37] : memref<10000x16xf32, #tpu.memory_space<vmem_shared>> -> memref<10000x16xf32, #tpu.memory_space<vmem_shared>>
        tpu.enqueue_indirect_dma source(%arg5 : memref<400x16xf32, #tpu.memory_space<vmem>>) target(%dma_start3A_38 : memref<10000x16xf32, #tpu.memory_space<vmem_shared>>) offsets(%dma_start3A_35 : memref<400xi32, #tpu.memory_space<vmem>>) semaphore(%run_scoped3A : memref<!tpu.dma_semaphore, #tpu.memory_space<semaphore_mem>>) {add = true}
        %dma_wait3A = arith.constant 0 : i32
        %dma_wait3A_39 = tpu.memref_slice %arg4[%add3A_33, %dma_wait3A] : memref<25x400xi32, #tpu.memory_space<vmem>> -> memref<1x400xi32, #tpu.memory_space<vmem>>
        %dma_wait3A_40 = tpu.memref_squeeze %dma_wait3A_39 : memref<1x400xi32, #tpu.memory_space<vmem>> -> memref<400xi32, #tpu.memory_space<vmem>>
        %dma_wait3A_41 = arith.constant 0 : i32
        %dma_wait3A_42 = arith.constant 0 : i32
        %dma_wait3A_43 = tpu.memref_slice %arg6[%dma_wait3A_41, %dma_wait3A_42] : memref<10000x16xf32, #tpu.memory_space<vmem_shared>> -> memref<10000x16xf32, #tpu.memory_space<vmem_shared>>
        tpu.wait_indirect_dma semaphore(%run_scoped3A : memref<!tpu.dma_semaphore, #tpu.memory_space<semaphore_mem>>) src(%arg5 : memref<400x16xf32, #tpu.memory_space<vmem>>) dst(%dma_wait3A_43 : memref<10000x16xf32, #tpu.memory_space<vmem_shared>>)
        tpu.yield
      }) : () -> ()
    }
    %scan3A_23 = arith.constant 25 : i32
    %barrier3A_24 = arith.constant 0 : index
    tpu.barrier barrier_id(%barrier3A_24)
    %mul3A_25 = arith.constant 625 : i32
    %mul3A_26 = arith.muli %arg1, %mul3A_25 : i32
    %mul3A_27 = arith.constant 625 : i32
    %mul3A_28 = arith.muli %arg1, %mul3A_27 : i32
    "tpu.region"() ({
      %run_scoped3A = tpu.sem_alloc : memref<!tpu.dma_semaphore, #tpu.memory_space<semaphore_mem>>
      %dma_start3A = arith.constant 0 : i32
      %dma_start3A_29 = tpu.memref_slice %arg3[%arg0, %mul3A_28, %dma_start3A] : memref<2x10000x16xf32, #tpu.memory_space<hbm>> -> memref<1x625x16xf32, #tpu.memory_space<hbm>>
      %dma_start3A_30 = tpu.memref_squeeze %dma_start3A_29 : memref<1x625x16xf32, #tpu.memory_space<hbm>> -> memref<625x16xf32, #tpu.memory_space<hbm>>
      %dma_start3A_31 = arith.constant 0 : i32
      %dma_start3A_32 = tpu.memref_slice %arg6[%mul3A_26, %dma_start3A_31] : memref<10000x16xf32, #tpu.memory_space<vmem_shared>> -> memref<625x16xf32, #tpu.memory_space<vmem_shared>>
      tpu.enqueue_dma source(%dma_start3A_32 : memref<625x16xf32, #tpu.memory_space<vmem_shared>>) target(%dma_start3A_30 : memref<625x16xf32, #tpu.memory_space<hbm>>) target_semaphore(%run_scoped3A : memref<!tpu.dma_semaphore, #tpu.memory_space<semaphore_mem>>)
      %dma_wait3A = arith.constant 0 : i32
      %dma_wait3A_33 = tpu.memref_slice %arg3[%arg0, %mul3A_28, %dma_wait3A] : memref<2x10000x16xf32, #tpu.memory_space<hbm>> -> memref<1x625x16xf32, #tpu.memory_space<hbm>>
      %dma_wait3A_34 = tpu.memref_squeeze %dma_wait3A_33 : memref<1x625x16xf32, #tpu.memory_space<hbm>> -> memref<625x16xf32, #tpu.memory_space<hbm>>
      %dma_wait3A_35 = arith.constant 0 : i32
      %dma_wait3A_36 = tpu.memref_slice %arg6[%mul3A_26, %dma_wait3A_35] : memref<10000x16xf32, #tpu.memory_space<vmem_shared>> -> memref<625x16xf32, #tpu.memory_space<vmem_shared>>
      tpu.wait_dma2 semaphore(%run_scoped3A : memref<!tpu.dma_semaphore, #tpu.memory_space<semaphore_mem>>) src(%dma_wait3A_36 : memref<625x16xf32, #tpu.memory_space<vmem_shared>>) dst(%dma_wait3A_34 : memref<625x16xf32, #tpu.memory_space<hbm>>)
      tpu.yield
    }) : () -> ()
    return
  }
}

module attributes {stable_mosaic.version = 14 : i64} {
  func.func @body(%arg0: memref<10000x128xf32, #tpu.memory_space<vmem>>, %arg1: memref<128x128xf32, #tpu.memory_space<vmem>>, %arg2: memref<2x10000x16xf32, #tpu.memory_space<vmem>>, %arg3: memref<10000x128xf32, #tpu.memory_space<vmem>>, %arg4: memref<10000x1xf32, #tpu.memory_space<vmem>>) attributes {dimension_semantics = [], scalar_prefetch = 0 : i64, scratch_operands = 0 : i64, tpu.core_type = #tpu.core_type<tc>} {
    %get3A = arith.constant 0 : index
    %get3A_0 = arith.constant 0 : index
    %get3A_1 = arith.constant 0 : index
    %get3A_2 = vector.load %arg2[%get3A, %get3A_0, %get3A_1] : memref<2x10000x16xf32, #tpu.memory_space<vmem>>, vector<1x10000x1xf32>
    %get3A_3 = vector.shape_cast %get3A_2 : vector<1x10000x1xf32> to vector<10000x1xf32>
    %get3A_4 = arith.constant 1 : index
    %get3A_5 = arith.constant 0 : index
    %get3A_6 = arith.constant 0 : index
    %get3A_7 = vector.load %arg2[%get3A_4, %get3A_5, %get3A_6] : memref<2x10000x16xf32, #tpu.memory_space<vmem>>, vector<1x10000x1xf32>
    %get3A_8 = vector.shape_cast %get3A_7 : vector<1x10000x1xf32> to vector<10000x1xf32>
    %add3A = arith.addf %get3A_3, %get3A_8 : vector<10000x1xf32>
    %add3A_9 = arith.constant 1.000000e+00 : f32
    %add3A_10 = vector.broadcast %add3A_9 : f32 to vector<10000x1xf32>
    %add3A_11 = arith.addf %add3A_10, %add3A : vector<10000x1xf32>
    %rsqrt3A = math.rsqrt %add3A_11 : vector<10000x1xf32>
    %swap3A = arith.constant 0 : index
    %swap3A_12 = arith.constant 0 : index
    %swap3A_13 = vector.load %arg4[%swap3A, %swap3A_12] : memref<10000x1xf32, #tpu.memory_space<vmem>>, vector<10000x1xf32>
    tpu.vector_store %arg4[%swap3A, %swap3A_12], %rsqrt3A {strides = array<i32>} : memref<10000x1xf32, #tpu.memory_space<vmem>>, vector<10000x1xf32>,
    %get3A_14 = arith.constant 0 : index
    %get3A_15 = arith.constant 0 : index
    %get3A_16 = vector.load %arg0[%get3A_14, %get3A_15] : memref<10000x128xf32, #tpu.memory_space<vmem>>, vector<10000x128xf32>
    %get3A_17 = arith.constant 0 : index
    %get3A_18 = arith.constant 0 : index
    %get3A_19 = vector.load %arg1[%get3A_17, %get3A_18] : memref<128x128xf32, #tpu.memory_space<vmem>>, vector<128x128xf32>
    %dot_general3A = arith.constant dense<0.000000e+00> : vector<10000x128xf32>
    %dot_general3A_20 = tpu.matmul %get3A_16, %get3A_19, %dot_general3A {dimension_numbers = #tpu.dot_dimension_numbers<[1], [0], [0], [1], [0, 0, 1, 1], [], []>, transpose_lhs_hint = false} : vector<10000x128xf32>, vector<128x128xf32>, vector<10000x128xf32> -> vector<10000x128xf32>
    %mul3A = vector.broadcast %rsqrt3A : vector<10000x1xf32> to vector<10000x128xf32>
    %mul3A_21 = arith.mulf %dot_general3A_20, %mul3A : vector<10000x128xf32>
    %swap3A_22 = arith.constant 0 : index
    %swap3A_23 = arith.constant 0 : index
    %swap3A_24 = vector.load %arg3[%swap3A_22, %swap3A_23] : memref<10000x128xf32, #tpu.memory_space<vmem>>, vector<10000x128xf32>
    tpu.vector_store %arg3[%swap3A_22, %swap3A_23], %mul3A_21 {strides = array<i32>} : memref<10000x128xf32, #tpu.memory_space<vmem>>, vector<10000x128xf32>,
    return
  }
}

module attributes {stable_mosaic.version = 14 : i64} {
  func.func @body(%arg0: memref<2x10000x128xf32, #tpu.memory_space<vmem>>, %arg1: memref<10000x128xf32, #tpu.memory_space<vmem>>, %arg2: memref<10000x1xf32, #tpu.memory_space<vmem>>, %arg3: memref<1x128xf32, #tpu.memory_space<vmem>>, %arg4: memref<128x128xf32, #tpu.memory_space<vmem>>, %arg5: memref<10000x128xf32, #tpu.memory_space<vmem>>) attributes {dimension_semantics = [], scalar_prefetch = 0 : i64, scratch_operands = 0 : i64, tpu.core_type = #tpu.core_type<tc>} {
    %get3A = arith.constant 0 : index
    %get3A_0 = arith.constant 0 : index
    %get3A_1 = arith.constant 0 : index
    %get3A_2 = vector.load %arg0[%get3A, %get3A_0, %get3A_1] : memref<2x10000x128xf32, #tpu.memory_space<vmem>>, vector<1x10000x128xf32>
    %get3A_3 = vector.shape_cast %get3A_2 : vector<1x10000x128xf32> to vector<10000x128xf32>
    %get3A_4 = arith.constant 1 : index
    %get3A_5 = arith.constant 0 : index
    %get3A_6 = arith.constant 0 : index
    %get3A_7 = vector.load %arg0[%get3A_4, %get3A_5, %get3A_6] : memref<2x10000x128xf32, #tpu.memory_space<vmem>>, vector<1x10000x128xf32>
    %get3A_8 = vector.shape_cast %get3A_7 : vector<1x10000x128xf32> to vector<10000x128xf32>
    %add3A = arith.addf %get3A_3, %get3A_8 : vector<10000x128xf32>
    %get3A_9 = arith.constant 0 : index
    %get3A_10 = arith.constant 0 : index
    %get3A_11 = vector.load %arg1[%get3A_9, %get3A_10] : memref<10000x128xf32, #tpu.memory_space<vmem>>, vector<10000x128xf32>
    %add3A_12 = arith.addf %add3A, %get3A_11 : vector<10000x128xf32>
    %get3A_13 = arith.constant 0 : index
    %get3A_14 = arith.constant 0 : index
    %get3A_15 = vector.load %arg2[%get3A_13, %get3A_14] : memref<10000x1xf32, #tpu.memory_space<vmem>>, vector<10000x1xf32>
    %mul3A = vector.broadcast %get3A_15 : vector<10000x1xf32> to vector<10000x128xf32>
    %mul3A_16 = arith.mulf %mul3A, %add3A_12 : vector<10000x128xf32>
    %get3A_17 = arith.constant 0 : index
    %get3A_18 = arith.constant 0 : index
    %get3A_19 = vector.load %arg3[%get3A_17, %get3A_18] : memref<1x128xf32, #tpu.memory_space<vmem>>, vector<1x128xf32>
    %add3A_20 = vector.broadcast %get3A_19 : vector<1x128xf32> to vector<10000x128xf32>
    %add3A_21 = arith.addf %mul3A_16, %add3A_20 : vector<10000x128xf32>
    %max3A = arith.constant 0.000000e+00 : f32
    %max3A_22 = vector.broadcast %max3A : f32 to vector<10000x128xf32>
    %max3A_23 = arith.maximumf %add3A_21, %max3A_22 : vector<10000x128xf32>
    %get3A_24 = arith.constant 0 : index
    %get3A_25 = arith.constant 0 : index
    %get3A_26 = vector.load %arg2[%get3A_24, %get3A_25] : memref<10000x1xf32, #tpu.memory_space<vmem>>, vector<10000x1xf32>
    %get3A_27 = arith.constant 0 : index
    %get3A_28 = arith.constant 0 : index
    %get3A_29 = vector.load %arg4[%get3A_27, %get3A_28] : memref<128x128xf32, #tpu.memory_space<vmem>>, vector<128x128xf32>
    %dot_general3A = arith.constant dense<0.000000e+00> : vector<10000x128xf32>
    %dot_general3A_30 = tpu.matmul %max3A_23, %get3A_29, %dot_general3A {dimension_numbers = #tpu.dot_dimension_numbers<[1], [0], [0], [1], [0, 0, 1, 1], [], []>, transpose_lhs_hint = false} : vector<10000x128xf32>, vector<128x128xf32>, vector<10000x128xf32> -> vector<10000x128xf32>
    %mul3A_31 = vector.broadcast %get3A_26 : vector<10000x1xf32> to vector<10000x128xf32>
    %mul3A_32 = arith.mulf %mul3A_31, %dot_general3A_30 : vector<10000x128xf32>
    %swap3A = arith.constant 0 : index
    %swap3A_33 = arith.constant 0 : index
    %swap3A_34 = vector.load %arg5[%swap3A, %swap3A_33] : memref<10000x128xf32, #tpu.memory_space<vmem>>, vector<10000x128xf32>
    tpu.vector_store %arg5[%swap3A, %swap3A_33], %mul3A_32 {strides = array<i32>} : memref<10000x128xf32, #tpu.memory_space<vmem>>, vector<10000x128xf32>,
    return
  }
}

module attributes {stable_mosaic.version = 14 : i64} {
  func.func @body(%arg0: memref<2x10000x128xf32, #tpu.memory_space<vmem>>, %arg1: memref<10000x128xf32, #tpu.memory_space<vmem>>, %arg2: memref<10000x1xf32, #tpu.memory_space<vmem>>, %arg3: memref<1x128xf32, #tpu.memory_space<vmem>>, %arg4: memref<1x10000xi32, #tpu.memory_space<vmem>>, %arg5: memref<128x16xf32, #tpu.memory_space<vmem>>, %arg6: memref<16xf32, #tpu.memory_space<vmem>>, %arg7: memref<64x16xf32, #tpu.memory_space<vmem>>) attributes {dimension_semantics = [], scalar_prefetch = 0 : i64, scratch_operands = 0 : i64, tpu.core_type = #tpu.core_type<tc>} {
    %get3A = arith.constant 0 : index
    %get3A_0 = arith.constant 0 : index
    %get3A_1 = arith.constant 0 : index
    %get3A_2 = vector.load %arg0[%get3A, %get3A_0, %get3A_1] : memref<2x10000x128xf32, #tpu.memory_space<vmem>>, vector<1x10000x128xf32>
    %get3A_3 = vector.shape_cast %get3A_2 : vector<1x10000x128xf32> to vector<10000x128xf32>
    %get3A_4 = arith.constant 1 : index
    %get3A_5 = arith.constant 0 : index
    %get3A_6 = arith.constant 0 : index
    %get3A_7 = vector.load %arg0[%get3A_4, %get3A_5, %get3A_6] : memref<2x10000x128xf32, #tpu.memory_space<vmem>>, vector<1x10000x128xf32>
    %get3A_8 = vector.shape_cast %get3A_7 : vector<1x10000x128xf32> to vector<10000x128xf32>
    %add3A = arith.addf %get3A_3, %get3A_8 : vector<10000x128xf32>
    %get3A_9 = arith.constant 0 : index
    %get3A_10 = arith.constant 0 : index
    %get3A_11 = vector.load %arg1[%get3A_9, %get3A_10] : memref<10000x128xf32, #tpu.memory_space<vmem>>, vector<10000x128xf32>
    %add3A_12 = arith.addf %add3A, %get3A_11 : vector<10000x128xf32>
    %get3A_13 = arith.constant 0 : index
    %get3A_14 = arith.constant 0 : index
    %get3A_15 = vector.load %arg2[%get3A_13, %get3A_14] : memref<10000x1xf32, #tpu.memory_space<vmem>>, vector<10000x1xf32>
    %mul3A = vector.broadcast %get3A_15 : vector<10000x1xf32> to vector<10000x128xf32>
    %mul3A_16 = arith.mulf %mul3A, %add3A_12 : vector<10000x128xf32>
    %get3A_17 = arith.constant 0 : index
    %get3A_18 = arith.constant 0 : index
    %get3A_19 = vector.load %arg3[%get3A_17, %get3A_18] : memref<1x128xf32, #tpu.memory_space<vmem>>, vector<1x128xf32>
    %add3A_20 = vector.broadcast %get3A_19 : vector<1x128xf32> to vector<10000x128xf32>
    %add3A_21 = arith.addf %mul3A_16, %add3A_20 : vector<10000x128xf32>
    %max3A = arith.constant 0.000000e+00 : f32
    %max3A_22 = vector.broadcast %max3A : f32 to vector<10000x128xf32>
    %max3A_23 = arith.maximumf %add3A_21, %max3A_22 : vector<10000x128xf32>
    %iota3A = tpu.iota {dimensions = array<i32: 0>} : vector<64x10000xi32>
    %get3A_24 = arith.constant 0 : index
    %get3A_25 = arith.constant 0 : index
    %get3A_26 = vector.load %arg4[%get3A_24, %get3A_25] : memref<1x10000xi32, #tpu.memory_space<vmem>>, vector<1x10000xi32>
    %eq3A = vector.broadcast %get3A_26 : vector<1x10000xi32> to vector<64x10000xi32>
    %eq3A_27 = arith.cmpi eq, %iota3A, %eq3A : vector<64x10000xi32>
    %convert_element_type3A = arith.extui %eq3A_27 : vector<64x10000xi1> to vector<64x10000xi32>
    %convert_element_type3A_28 = arith.sitofp %convert_element_type3A : vector<64x10000xi32> to vector<64x10000xf32>
    %dot_general3A = arith.constant dense<0.000000e+00> : vector<64x128xf32>
    %dot_general3A_29 = tpu.matmul %convert_element_type3A_28, %max3A_23, %dot_general3A {dimension_numbers = #tpu.dot_dimension_numbers<[1], [0], [0], [1], [0, 0, 1, 1], [], []>, transpose_lhs_hint = false} : vector<64x10000xf32>, vector<10000x128xf32>, vector<64x128xf32> -> vector<64x128xf32>
    %reduce_sum3A = arith.constant dense<0.000000e+00> : vector<64xf32>
    %reduce_sum3A_30 = vector.multi_reduction <add>, %convert_element_type3A_28, %reduce_sum3A [1] : vector<64x10000xf32> to vector<64xf32>
    %broadcast_in_dim3A = vector.shape_cast %reduce_sum3A_30 : vector<64xf32> to vector<64x1xf32>
    %max3A_31 = arith.constant 1.000000e+00 : f32
    %max3A_32 = vector.broadcast %max3A_31 : f32 to vector<64x1xf32>
    %max3A_33 = arith.maximumf %broadcast_in_dim3A, %max3A_32 : vector<64x1xf32>
    %div3A = vector.broadcast %max3A_33 : vector<64x1xf32> to vector<64x128xf32>
    %div3A_34 = arith.divf %dot_general3A_29, %div3A : vector<64x128xf32>
    %get3A_35 = arith.constant 0 : index
    %get3A_36 = arith.constant 0 : index
    %get3A_37 = vector.load %arg5[%get3A_35, %get3A_36] : memref<128x16xf32, #tpu.memory_space<vmem>>, vector<128x16xf32>
    %dot_general3A_38 = arith.constant dense<0.000000e+00> : vector<64x16xf32>
    %dot_general3A_39 = tpu.matmul %div3A_34, %get3A_37, %dot_general3A_38 {dimension_numbers = #tpu.dot_dimension_numbers<[1], [0], [0], [1], [0, 0, 1, 1], [], []>, transpose_lhs_hint = false} : vector<64x128xf32>, vector<128x16xf32>, vector<64x16xf32> -> vector<64x16xf32>
    %get3A_40 = arith.constant 0 : index
    %get3A_41 = vector.load %arg6[%get3A_40] : memref<16xf32, #tpu.memory_space<vmem>>, vector<16xf32>
    %broadcast_in_dim3A_42 = vector.shape_cast %get3A_41 : vector<16xf32> to vector<1x16xf32>
    %add3A_43 = vector.broadcast %broadcast_in_dim3A_42 : vector<1x16xf32> to vector<64x16xf32>
    %add3A_44 = arith.addf %dot_general3A_39, %add3A_43 : vector<64x16xf32>
    %swap3A = arith.constant 0 : index
    %swap3A_45 = arith.constant 0 : index
    %swap3A_46 = vector.load %arg7[%swap3A, %swap3A_45] : memref<64x16xf32, #tpu.memory_space<vmem>>, vector<64x16xf32>
    tpu.vector_store %arg7[%swap3A, %swap3A_45], %add3A_44 {strides = array<i32>} : memref<64x16xf32, #tpu.memory_space<vmem>>, vector<64x16xf32>,
    return
  }
}

</mosaic_0001>

<sc_bundles>
// kernel: kernel.11.cloned.1.call-start
scs
__scs_entry_jumppad:
0x0: {  	(pc) =	sbr.rel $0x88, $3  }
0x1: {  	(tag) =	ssettag $0x0;
	lr =	simm.s32 $0x1  }
0x2: {  	[smem:$0x3F98] =	sst lr;
	_ =	strace $0xD0000000  }
0x3: {  	_ = 	snop  }
0x4: {  	_ = 	snop  }
0x5: {  	_ = 	snop  }
0x6: {  	_ = 	snop  }
0x7: {  	_ = 	snop  }
__scs_overlays_trampoline_lowered:
0x8: {  	[smem:$0x3FA7] =	sst s0  }
0x9: {  	[smem:$0x3FA8] =	sst s1  }
0xa: {  	[smem:$0x3FA9] =	sst s2  }
0xb: {  	[smem:$0x3FAA] =	sst s3  }
0xc: {  	[smem:$0x3FAB] =	sst s4  }
0xd: {  	[smem:$0x3FAC] =	sst s5  }
0xe: {  	[smem:$0x3FAD] =	sst s6  }
0xf: {  	[smem:$0x3FAE] =	sst s7  }
0x10: {  	[smem:$0x3FAF] =	sst s8  }
0x11: {  	[smem:$0x3FB0] =	sst s9;
	s0 =	simm.s32 @!p0 $0x0  }
0x12: {  	s1 =	sld [smem:$0x3F96];
	s0 =	simm.s32 @p0 $0x1  }
0x13: {  	[smem:$0x3FB1] =	sst s0;
	s0 =	simm.s32 @!p1 $0x0  }
0x14: {  	s2 =	sld [smem:$0x3F95];
	s0 =	simm.s32 @p1 $0x1  }
0x15: {  	[smem:$0x3FB2] =	sst s0;
	s0 =	simm.s32 @!p2 $0x0  }
0x16: {  	s3 =	sld [smem:$0x3FDB];
	s0 =	simm.s32 @p2 $0x1  }
0x17: {  	s4 =	simm.s32 $0x1BF5;
	[smem:$0x3FB4] =	sst s0  }
0x18: {  	s0 =	sld [smem:$0x3F97];
	_ =	swait.ge [sflag:s4], $0x0  }
0x19: {  	s7 =	sld [smem:$0x3F98]  }
0x1a: {  	s8 =	sadd.s32 $0xFFFFE003, lr  }
0x1b: {  	s9 =	sadd.s32 $0xFFFFFEF7, lr;
	s5 =	simm.s32 $0xFFFFFFFF;
	p2 =	slt.u32 s8, $0xFFFFF086  }
0x1c: {  	p1 =	slt.u32 s9, $0xF7A;
	s5 =	simm.s32 @!p2 $0x0  }
0x1d: {  	s5 =	simm.s32 @p1 $0x1;
	p0 =	seq.s32 s7, s2  }
0x1e: {  	s7 =	smul.u32 @!p0 $0xF7A, s2;
	p2 =	seq.s32 @!p0 s5, $0x0  }
0x1f: {  	s9 =	smul.u32 $0xF7A, s1;
	s8 =	simm.s32 @!p0 $0x1BF5;
	p2 =	por !p2, p0  }
0x20: {  	[sflag:s8] =	ssyncset.s32 @!p0 $0xFFFFF086;
	s6 =	sadd.s32 @!p0 s3, s7;
	s7 =	simm.s32 @!p0 $0x108  }
0x21: {  	s3 =	sadd.s32 s3, s9;
	s6 =	sadd.s32 @!p0 $0x88, s6;
	s7 =	simm.s32 @p2 $0x1082  }
0x22: {  	[simem:s7], [sflag:s8] =	dma.local @!p0 [hbm:s6], $0xF7A  }
0x23: {  	s9 =	sor.u32 $0xD0000000, s2;
	s6 =	simm.s32 $0x108;
	_ =	swait.ge @!p0 [sflag:s8], $0x0  }
0x24: {  	s3 =	sadd.s32 $0x88, s3;
	s6 =	simm.s32 @!p1 $0x1082;
	[sflag:s4] =	ssyncset.s32 $0xFFFFF086  }
0x25: {  	[simem:s6], [sflag:s4] =	dma.local [hbm:s3], $0xF7A  }
0x26: {  	[smem:$0x3F98] =	sst s1;
	(tag) =	ssettag s2;
	_ =	strace s9  }
0x27: {  	s1 =	sld [smem:$0x3FA8]  }
0x28: {  	s2 =	sld [smem:$0x3FA9]  }
0x29: {  	s4 =	sld [smem:$0x3FAB]  }
0x2a: {  	p0 =	seq.s32 s5, $0x0;
	s5 =	sld [smem:$0x3FAC]  }
0x2b: {  	s6 =	sld [smem:$0x3FAD]  }
0x2c: {  	s7 =	sld [smem:$0x3FAE]  }
0x2d: {  	s3 =	simm.s32 $0x108;
	s8 =	sld [smem:$0x3FAF]  }
0x2e: {  	s3 =	simm.s32 @!p0 $0x1082;
	s9 =	sld [smem:$0x3FB0]  }
0x2f: {  	lr =	sadd.s32 s0, s3;
	s0 =	sld [smem:$0x3FA7]  }
0x30: {  	s3 =	sld [smem:$0x3FAA]  }
0x31: {  	[smem:$0x3FB3] =	sst s10  }
0x32: {  	s10 =	sld [smem:$0x3FB1];
	_ =	sdelay $0x3  }
0x33: {  	p0 =	seq.s32 s10, $0x1;
	s10 =	sld [smem:$0x3FB3];
	_ =	sdelay $0x3  }
0x34: {  	[smem:$0x3FB3] =	sst s10  }
0x35: {  	s10 =	sld [smem:$0x3FB2];
	_ =	sdelay $0x3  }
0x36: {  	p1 =	seq.s32 s10, $0x1;
	s10 =	sld [smem:$0x3FB3];
	_ =	sdelay $0x3  }
0x37: {  	[smem:$0x3FB3] =	sst s10  }
0x38: {  	s10 =	sld [smem:$0x3FB4]  }
0x39: {  	_ = 	snop;
	(pc) =	sbr.ind lr, $3  }
0x3a: {  	_ = 	snop  }
0x3b: {  	_ = 	snop  }
0x3c: {  	p2 =	seq.s32 s10, $0x1;
	s10 =	sld [smem:$0x3FB3]  }
0x3d: {  	_ =	shalt  }
0x3e: {  	_ =	shalt  }
0x3f: {  	_ =	shalt  }
0x40: {  	_ =	shalt  }
0x41: {  	_ =	shalt  }
0x42: {  	_ =	shalt  }
0x43: {  	_ =	shalt  }
0x44: {  	_ =	shalt  }
0x45: {  	_ =	shalt  }
0x46: {  	_ =	shalt  }
0x47: {  	_ =	shalt  }
0x48: {  	_ =	shalt  }
0x49: {  	_ =	shalt  }
0x4a: {  	_ =	shalt  }
0x4b: {  	_ =	shalt  }
0x4c: {  	_ =	shalt  }
0x4d: {  	_ =	shalt  }
0x4e: {  	_ =	shalt  }
0x4f: {  	_ =	shalt  }
0x50: {  	_ =	shalt  }
0x51: {  	_ =	shalt  }
0x52: {  	_ =	shalt  }
0x53: {  	_ =	shalt  }
0x54: {  	_ =	shalt  }
0x55: {  	_ =	shalt  }
0x56: {  	_ =	shalt  }
0x57: {  	_ =	shalt  }
0x58: {  	_ =	shalt  }
0x59: {  	_ =	shalt  }
0x5a: {  	_ =	shalt  }
0x5b: {  	_ =	shalt  }
0x5c: {  	_ =	shalt  }
0x5d: {  	_ =	shalt  }
0x5e: {  	_ =	shalt  }
0x5f: {  	_ =	shalt  }
0x60: {  	_ =	shalt  }
0x61: {  	_ =	shalt  }
0x62: {  	_ =	shalt  }
0x63: {  	_ =	shalt  }
0x64: {  	_ =	shalt  }
0x65: {  	_ =	shalt  }
0x66: {  	_ =	shalt  }
0x67: {  	_ =	shalt  }
0x68: {  	_ =	shalt  }
0x69: {  	_ =	shalt  }
0x6a: {  	_ =	shalt  }
0x6b: {  	_ =	shalt  }
0x6c: {  	_ =	shalt  }
0x6d: {  	_ =	shalt  }
0x6e: {  	_ =	shalt  }
0x6f: {  	_ =	shalt  }
0x70: {  	_ =	shalt  }
0x71: {  	_ =	shalt  }
0x72: {  	_ =	shalt  }
0x73: {  	_ =	shalt  }
0x74: {  	_ =	shalt  }
0x75: {  	_ =	shalt  }
0x76: {  	_ =	shalt  }
0x77: {  	_ =	shalt  }
0x78: {  	_ =	shalt  }
0x79: {  	_ =	shalt  }
0x7a: {  	_ =	shalt  }
0x7b: {  	_ =	shalt  }
0x7c: {  	_ =	shalt  }
0x7d: {  	_ =	shalt  }
0x7e: {  	_ =	shalt  }
0x7f: {  	_ =	shalt  }
0x80: {  	_ =	shalt  }
0x81: {  	_ =	shalt  }
0x82: {  	_ =	shalt  }
0x83: {  	_ =	shalt  }
0x84: {  	_ =	shalt  }
0x85: {  	_ =	shalt  }
0x86: {  	_ =	shalt  }
0x87: {  	_ =	shalt  }
.Lfunc_end0:
.L_simem_size_0:
called_computation.1_lowered:
.L_overlay_start_0:
0x88: {  	s2 =	sld [smem:$0x3FD9]  }
0x89: {  	s3 =	sld [smem:$0x3FFE];
	_ =	sdelay $0x1  }
0x8a: {  	s1 =	srdreg.scid  }
0x8b: {  	s0 =	sand.u32 $0x1, s1  }
0x8c: {  	s16 =	sshll.u32 s0, $0xA;
	s2 =	sadd.s32 s3, s2  }
0x8d: {  	s2 =	sadd.s32 s2, s16  }
0x8e: {  	[smem:$0x3FBF] =	sst s2  }
0x8f: {  	_ = 	snop  }
0x90: {  	(tm) =	ssettm $0x1  }
0x91: {  	s17 =	sld [smem:$0x3FFB];
	_ =	sdelay $0x3  }
0x92: {  	_ =	strace s17  }
0x93: {  	s2 =	sld [smem:$0x3FFC];
	_ =	sdelay $0x3  }
0x94: {  	_ =	strace s2  }
0x95: {  	s2 =	sld [smem:$0x3FFD];
	_ =	sdelay $0x3  }
0x96: {  	_ =	strace s2  }
0x97: {  	_ =	strace $0x8FFFFFFF  }
0x98: {  	s18 =	sld [smem:$0x3FDB];
	_ =	sdelay $0x1  }
0x99: {  	s19 =	simm.s32 $_scs_section_size  }
0x9a: {  	s4 =	simm.s32 $_size__tile_overlayer_lowered;
	s5 =	simm.s32 $_tile_overlayer_lowered  }
0x9b: {  	s22 =	simm.s32 $0x1BFF;
	s21 =	sshll.u32 s5, $0x1;
	s2 =	sadd.s32 s19, s18  }
0x9c: {  	s6 =	simm.s32 $0x0;
	s20 =	sshll.u32 s4, $0x1;
	s4 =	sadd.s32 s21, s2  }
0x9d: {  	[timem:s6], [sflag:s22] =	dma.local [hbm:s4], s20  }
0x9e: {  	_ =	swait.ge [sflag:s22], s20  }
0x9f: {  	s3 =	ssub.s32 $0x0, s20;
	[sflag:s22] =	ssyncset.done $0x0  }
0xa0: {  	[sflag:s22] =	ssyncadd.s32 s3;
	_ =	sdelay $0x1  }
0xa1: {  	s23 =	simm.s32 $0x1B8B  }
0xa2: {  	_ =	swait.ge [sflag:s23], $0x1  }
0xa3: {  	[sflag:s23] =	ssyncset.done $0x0  }
0xa4: {  	s25 =	simm.s32 $0x1B8E;
	s24 =	sld [smem:$0x3FFE];
	[sflag:s23] =	ssyncadd.s32 $0xFFFFFFFF  }
0xa5: {  	s26 =	simm.s32 $execute0_lowered;
	[smem:$0x3FD2] =	sst s25  }
0xa6: {  	s4 =	sshll.u32 s26, $0x1;
	_ =	strace $0x80000049;
	[dreg:$0x1] =	wrdreg $0xFFFFFFFF  }
0xa7: {  	s28 =	simm.s32 $_size_execute0_lowered;
	s2 =	sadd.s32 s2, s4;
	[dreg:$0x0] =	wrdreg $0x0  }
0xa8: {  	s4 =	sshll.u32 s28, $0x1;
	[dreg:$0x2] =	wrdreg s2  }
0xa9: {  	[dreg:$0x3] =	wrdreg s4  }
0xaa: {  	[dreg:$0x4] =	wrdreg $0xC0  }
0xab: {  	_ =	task [dreg:s6], $0x5FFFF  }
0xac: {  	[dreg:$0x1] =	wrdreg $0xFFFFFFFF  }
0xad: {  	[dreg:$0x0] =	wrdreg $0x60  }
0xae: {  	[dreg:$0x2] =	wrdreg s24  }
0xaf: {  	[dreg:$0x3] =	wrdreg $0xC6200  }
0xb0: {  	[dreg:$0x4] =	wrdreg $0x9  }
0xb1: {  	_ =	task.clear_ibuf [dreg:s6], $0x5FFFF;
	_ =	strace $0x90000049  }
0xb2: {  	s29 =	simm.s32 $0x9;
	_ =	strace $0x8000004B  }
0xb3: {  	_ =	swait.ge [sflag:s29], $0x1  }
0xb4: {  	[sflag:s29] =	ssyncadd.s32 $0xFFFFFFFF  }
0xb5: {  	_ =	strace $0x9000004B  }
0xb6: {  	_ =	sfence  }
0xb7: {  	s30 =	sld [smem:$0x0];
	_ =	sdelay $0x2  }
0xb8: {  	s31 =	sshll.u32 s1, $0xD;
	s1 =	sshrl.u32 s1, $0x2  }
0xb9: {  	s3 =	sand.u32 $0x4000, s31;
	s1 =	sadd.s32 s1, s30  }
0xba: {  	s0 =	sor.u32 s3, s0;
	s1 =	sshll.u32 s1, $0x11  }
0xbb: {  	s0 =	sor.u32 s1, s0  }
0xbc: {  	s0 =	sadd.s32 $0x8F2B, s0  }
0xbd: {  	[sflag:s0] =	ssyncadd.remote.s32 $0x1  }
0xbe: {  	_ =	sfence.sel $0xFFFF  }
0xbf: {  	[dreg:$0x0] =	wrdreg $0xFFFFFFFF;
	(pc) =	sbr.abs _section_cstart, $3  }
0xc0: {  	[dreg:$0x1] =	wrdreg $0xFFFFFFFF  }
0xc1: {  	_ =	task.clear_ibuf [dreg:s6], $0x2FFFF;
	_ =	strace $0x9FFFFFFF  }
0xc2: {  	(tm) =	ssettm $0x7FFFFFFF  }
0xc3: {  	_ =	shalt  }
tec
execute0_lowered:
.L_overlay_start_1:
0x0: {  	(tag) =	ssettag $0x1  }
0x1: {  	s0 =	rddreg [dreg:$0x0]  }
0x2: {  	s1 =	rddreg [dreg:$0x1];
	s2 =	srdreg.scid;
	s3 =	simm.s32 $0x0  }
0x3: {  	s25 =	stileid.u32;
	s17 =	simm.s32 $0x4;
	s18 =	simm.s32 $0x2710  }
0x4: {  	s19 =	simm.s32 $0x4E20;
	s20 =	simm.s32 $0x50;
	s21 =	simm.s32 $0x7620  }
0x5: {  	s22 =	simm.s32 $0x1;
	s23 =	simm.s32 $0x9E20;
	s24 =	simm.s32 $0x2  }
0x6: {  	s28 =	simm.s32 $0x4D80;
	s29 =	simm.s32 $0x4DD0;
	s10 =	smul.u32 $0x13880, s25  }
0x7: {  	s30 =	simm.s32 $0x0;
	s5 =	sand.u32 $0x1, s2;
	s8 =	smul.u32 $0x4E200, s25  }
0x8: {  	[smem:$0x7FF] =	sst s3;
	s4 =	sshll.u32 s5, $0x4;
	s6 =	smul.u32 $0x138800, s5  }
0x9: {  	_ =	strace $0x8000004A;
	s5 =	ssub.s32 $0x2, s5;
	s4 =	sor.u32 s25, s4  }
0xa: {  	s26 =	sshrl.u32 s5, $0x1;
	s8 =	sshrl.u32 s8, $0x2;
	s31 =	sadd.s32 s10, s1  }
0xb: {  	s7 =	smul.u32 $0x4E2, s4;
	s4 =	sadd.s32 $0x16E00, s0;
	s6 =	sadd.s32 s10, s6  }
0xc: {  	s11 =	ssub.s32 s5, s26;
	s25 =	sshrl.u32 s31, $0x3;
	s26 =	simm.s32 $0x3  }
0xd: {  	s6 =	sshrl.u32 s6, $0x3;
	s10 =	smax.u32 s11, $0x1;
	s7 =	sadd.s32 s7, s0  }
0xe: {  	s0 =	sadd.s32 s6, s0;
	s6 =	sadd.s32 s8, s1;
	s5 =	sadd.s32 $0x3200, s7  }
0xf: {  	s7 =	sadd.s32 $0xD000, s7;
	s8 =	sadd.s32 $0x11800, s6;
	s9 =	sadd.s32 $0x3E000, s0  }
0x10: {  	s11 =	sadd.s32 $0x2800, s6;
	s12 =	sadd.s32 $0x5000, s6;
	s13 =	sadd.s32 $0x7800, s6  }
0x11: {  	v0 =	vimm.f32 $0.0e+00;
	s14 =	sadd.s32 $0xA000, s6;
	s15 =	sadd.s32 $0xC800, s6;
	s16 =	sadd.s32 $0xF000, s6  }
.LBB2_1:
0x12: {  	[tilespmem:s3], [sflag:$0x4] =	stream.linear.gather [hbm4b:s5+s3], $0x2710, $0x38;
	[tilespmem:$0x1FEA0] =	vst v63  }
0x13: {  	_ =	swait.ge [sflag:s17], $0x2710  }
0x14: {  	[sflag:s17] =	ssyncset.done $0x0  }
0x15: {  	[sflag:s17] =	ssyncadd.s32 $0xFFFFD8F0  }
0x16: {  	[tilespmem:s18], [sflag:$0x4] =	stream.linear.gather [hbm4b:s7+s3], $0x2710, $0x38;
	[tilespmem:$0x1FEA0] =	vst v63  }
0x17: {  	_ =	swait.ge [sflag:s17], $0x2710  }
0x18: {  	[sflag:s17] =	ssyncset.done $0x0  }
0x19: {  	s31 =	simm.s32 $0x70;
	s0 =	simm.s32 $0x3C0;
	[sflag:s17] =	ssyncadd.s32 $0xFFFFD8F0  }
.LBB2_2:
0x1a: {  	p0 =	sne.s32 s0, $0x9FC0;
	[tilespmem:s31+$0x4E20] =	vst v0  }
0x1b: {  	[tilespmem:s31+$0x4DB0] =	vst v0  }
0x1c: {  	[tilespmem:s31+$0x4DC0] =	vst v0  }
.Ltmp0:
0x1d: {  	[tilespmem:s31+$0x4DD0] =	vst v0;
	(pc) =	sbr.rel @p0 .LBB2_2-.Ltmp0, $4  }
0x1e: {  	[tilespmem:s31+$0x4DE0] =	vst v0  }
0x1f: {  	[tilespmem:s31+$0x4DF0] =	vst v0  }
0x20: {  	[tilespmem:s31+$0x4E00] =	vst v0  }
0x21: {  	[tilespmem:s31+$0x4E10] =	vst v0;
	s31 =	sshra.s32 s0, $0x2;
	s0 =	sadd.s32 $0x200, s0  }
0x22: {  	[tilespmem:s31+$0x4E20] =	vst v0  }
0x23: {  	[tilespmem:s31+$0x4DB0] =	vst v0  }
0x24: {  	[tilespmem:s31+$0x4DC0] =	vst v0  }
0x25: {  	[tilespmem:s31+$0x4DD0] =	vst v0  }
0x26: {  	[tilespmem:s31+$0x4DE0] =	vst v0  }
0x27: {  	[tilespmem:s31+$0x4DF0] =	vst v0  }
0x28: {  	[tilespmem:s31+$0x4E00] =	vst v0  }
0x29: {  	[tilespmem:s31+$0x4E10] =	vst v0  }
0x2a: {  	[spmem:s6] =	stream.linear.scatter [tilespmem:s19], [sflag:$0x4], $0x2800, $0x38;
	[tilespmem:$0x1FEA0] =	vst v63  }
0x2b: {  	_ =	swait.ge [sflag:s17], $0x2800  }
0x2c: {  	[sflag:s17] =	ssyncset.done $0x0  }
0x2d: {  	[sflag:s17] =	ssyncadd.s32 $0xFFFFD800  }
0x2e: {  	[spmem:s11] =	stream.linear.scatter [tilespmem:s19], [sflag:$0x4], $0x2800, $0x38;
	[tilespmem:$0x1FEA0] =	vst v63  }
0x2f: {  	_ =	swait.ge [sflag:s17], $0x2800  }
0x30: {  	[sflag:s17] =	ssyncset.done $0x0  }
0x31: {  	[sflag:s17] =	ssyncadd.s32 $0xFFFFD800  }
0x32: {  	[spmem:s12] =	stream.linear.scatter [tilespmem:s19], [sflag:$0x4], $0x2800, $0x38;
	[tilespmem:$0x1FEA0] =	vst v63  }
0x33: {  	_ =	swait.ge [sflag:s17], $0x2800  }
0x34: {  	[sflag:s17] =	ssyncset.done $0x0  }
0x35: {  	[sflag:s17] =	ssyncadd.s32 $0xFFFFD800  }
0x36: {  	[spmem:s13] =	stream.linear.scatter [tilespmem:s19], [sflag:$0x4], $0x2800, $0x38;
	[tilespmem:$0x1FEA0] =	vst v63  }
0x37: {  	_ =	swait.ge [sflag:s17], $0x2800  }
0x38: {  	[sflag:s17] =	ssyncset.done $0x0  }
0x39: {  	[sflag:s17] =	ssyncadd.s32 $0xFFFFD800  }
0x3a: {  	[spmem:s14] =	stream.linear.scatter [tilespmem:s19], [sflag:$0x4], $0x2800, $0x38;
	[tilespmem:$0x1FEA0] =	vst v63  }
0x3b: {  	_ =	swait.ge [sflag:s17], $0x2800  }
0x3c: {  	[sflag:s17] =	ssyncset.done $0x0  }
0x3d: {  	[sflag:s17] =	ssyncadd.s32 $0xFFFFD800  }
0x3e: {  	[spmem:s15] =	stream.linear.scatter [tilespmem:s19], [sflag:$0x4], $0x2800, $0x38;
	[tilespmem:$0x1FEA0] =	vst v63  }
0x3f: {  	_ =	swait.ge [sflag:s17], $0x2800  }
0x40: {  	[sflag:s17] =	ssyncset.done $0x0  }
0x41: {  	[sflag:s17] =	ssyncadd.s32 $0xFFFFD800  }
0x42: {  	[spmem:s16] =	stream.linear.scatter [tilespmem:s19], [sflag:$0x4], $0x2800, $0x38;
	[tilespmem:$0x1FEA0] =	vst v63  }
0x43: {  	_ =	swait.ge [sflag:s17], $0x2800  }
0x44: {  	[sflag:s17] =	ssyncset.done $0x0  }
0x45: {  	[sflag:s17] =	ssyncadd.s32 $0xFFFFD800  }
0x46: {  	[spmem:s8] =	stream.linear.scatter [tilespmem:s19], [sflag:$0x4], $0x2080, $0x38;
	[tilespmem:$0x1FEA0] =	vst v63  }
0x47: {  	_ =	swait.ge [sflag:s17], $0x2080  }
0x48: {  	[sflag:s17] =	ssyncset.done $0x0  }
0x49: {  	[sflag:s17] =	ssyncadd.s32 $0xFFFFDF80  }
0x4a: {  	s0 =	simm.s32 $0x0;
	[bflag:$0x0] =	sbarrier.arrive $0xFFFF  }
0x4b: {  	[tilespmem:s19], [sflag:$0x1] =	stream.indirect.gather [hbm4b:s4+s20], $0x80, s0, s20, $0xb8;
	[tilespmem:$0x1FEA0] =	vst v63  }
0x4c: {  	_ = 	snop  }
0x4d: {  	[tilespmem:s21], [sflag:$0x2] =	stream.indirect.gather [hbm4b:s4+s20], $0x80, s20, s20, $0xb8;
	[tilespmem:$0x1FEA0] =	vst v63  }
0x4e: {  	_ =	swait.ge [sflag:s22], $0x2800  }
0x4f: {  	[sflag:s22] =	ssyncset.done $0x0  }
0x50: {  	s2 =	simm.s32 $0xA0;
	[sflag:s22] =	ssyncadd.s32 $0xFFFFD800  }
0x51: {  	[tilespmem:s23], [sflag:$0x3] =	stream.indirect.gather [hbm4b:s4+s20], $0x80, s2, s20, $0xb8;
	[tilespmem:$0x1FEA0] =	vst v63  }
0x52: {  	s2 =	simm.s32 $0x2710  }
0x53: {  	[spmem:s1] =	stream.indirect.scatter.add.f32 [tilespmem:s19], [sflag:$0x4], $0x80, s2, s20, $0xb8;
	[tilespmem:$0x1FEA0] =	vst v63  }
0x54: {  	_ =	swait.ge [sflag:s17], $0x2800  }
0x55: {  	[sflag:s17] =	ssyncset.done $0x0  }
0x56: {  	[sflag:s17] =	ssyncadd.s32 $0xFFFFD800  }
0x57: {  	_ =	swait.ge [sflag:s24], $0x2800  }
0x58: {  	[sflag:s24] =	ssyncset.done $0x0  }
0x59: {  	s2 =	simm.s32 $0xF0;
	[sflag:s24] =	ssyncadd.s32 $0xFFFFD800  }
0x5a: {  	[tilespmem:s19], [sflag:$0x1] =	stream.indirect.gather [hbm4b:s4+s20], $0x80, s2, s20, $0xb8;
	[tilespmem:$0x1FEA0] =	vst v63  }
0x5b: {  	s2 =	simm.s32 $0x2760  }
0x5c: {  	[spmem:s1] =	stream.indirect.scatter.add.f32 [tilespmem:s21], [sflag:$0x4], $0x80, s2, s20, $0xb8;
	[tilespmem:$0x1FEA0] =	vst v63  }
0x5d: {  	_ =	swait.ge [sflag:s17], $0x2800  }
0x5e: {  	[sflag:s17] =	ssyncset.done $0x0  }
0x5f: {  	[sflag:s17] =	ssyncadd.s32 $0xFFFFD800  }
0x60: {  	_ =	swait.ge [sflag:s26], $0x2800  }
0x61: {  	[sflag:s26] =	ssyncset.done $0x0  }
0x62: {  	s2 =	simm.s32 $0x140;
	[sflag:s26] =	ssyncadd.s32 $0xFFFFD800  }
0x63: {  	[tilespmem:s21], [sflag:$0x2] =	stream.indirect.gather [hbm4b:s4+s20], $0x80, s2, s20, $0xb8;
	[tilespmem:$0x1FEA0] =	vst v63  }
0x64: {  	s2 =	simm.s32 $0x27B0  }
0x65: {  	[spmem:s1] =	stream.indirect.scatter.add.f32 [tilespmem:s23], [sflag:$0x4], $0x80, s2, s20, $0xb8;
	[tilespmem:$0x1FEA0] =	vst v63  }
0x66: {  	_ =	swait.ge [sflag:s17], $0x2800  }
0x67: {  	s31 =	simm.s32 $0x3C0;
	[sflag:s17] =	ssyncset.done $0x0  }
.LBB2_4:
0x68: {  	p0 =	sne.s32 s31, $0x9600  }
0x69: {  	[sflag:s17] =	ssyncadd.s32 $0xFFFFD800;
	s0 =	smov.u32 s31;
	s31 =	sadd.s32 $0x3C0, s31  }
0x6a: {  	_ = 	snop  }
0x6b: {  	_ =	swait.ge [sflag:s22], $0x2800  }
0x6c: {  	s0 =	sshra.s32 s0, $0x2;
	[sflag:s22] =	ssyncset.done $0x0  }
0x6d: {  	s2 =	sadd.s32 $0xA0, s0;
	[sflag:s22] =	ssyncadd.s32 $0xFFFFD800  }
0x6e: {  	[tilespmem:s23], [sflag:$0x3] =	stream.indirect.gather [hbm4b:s4+s20], $0x80, s2, s20, $0xb8;
	[tilespmem:$0x1FEA0] =	vst v63  }
0x6f: {  	s2 =	sadd.s32 $0x2710, s0  }
0x70: {  	[spmem:s1] =	stream.indirect.scatter.add.f32 [tilespmem:s19], [sflag:$0x4], $0x80, s2, s20, $0xb8;
	[tilespmem:$0x1FEA0] =	vst v63  }
0x71: {  	_ =	swait.ge [sflag:s17], $0x2800  }
0x72: {  	[sflag:s17] =	ssyncset.done $0x0  }
0x73: {  	[sflag:s17] =	ssyncadd.s32 $0xFFFFD800  }
0x74: {  	_ =	swait.ge [sflag:s24], $0x2800  }
0x75: {  	[sflag:s24] =	ssyncset.done $0x0  }
0x76: {  	s2 =	sadd.s32 $0xF0, s0;
	[sflag:s24] =	ssyncadd.s32 $0xFFFFD800  }
0x77: {  	[tilespmem:s19], [sflag:$0x1] =	stream.indirect.gather [hbm4b:s4+s20], $0x80, s2, s20, $0xb8;
	[tilespmem:$0x1FEA0] =	vst v63  }
0x78: {  	s2 =	sadd.s32 $0x2760, s0  }
0x79: {  	[spmem:s1] =	stream.indirect.scatter.add.f32 [tilespmem:s21], [sflag:$0x4], $0x80, s2, s20, $0xb8;
	[tilespmem:$0x1FEA0] =	vst v63  }
0x7a: {  	_ =	swait.ge [sflag:s17], $0x2800  }
0x7b: {  	[sflag:s17] =	ssyncset.done $0x0  }
0x7c: {  	[sflag:s17] =	ssyncadd.s32 $0xFFFFD800  }
0x7d: {  	_ =	swait.ge [sflag:s26], $0x2800  }
0x7e: {  	[sflag:s26] =	ssyncset.done $0x0  }
0x7f: {  	s2 =	sadd.s32 $0x140, s0;
	[sflag:s26] =	ssyncadd.s32 $0xFFFFD800  }
0x80: {  	[tilespmem:s21], [sflag:$0x2] =	stream.indirect.gather [hbm4b:s4+s20], $0x80, s2, s20, $0xb8;
	[tilespmem:$0x1FEA0] =	vst v63  }
.Ltmp1:
0x81: {  	_ = 	snop;
	(pc) =	sbr.rel @p0 .LBB2_4-.Ltmp1, $4  }
0x82: {  	s0 =	sadd.s32 $0x27B0, s0  }
0x83: {  	[spmem:s1] =	stream.indirect.scatter.add.f32 [tilespmem:s23], [sflag:$0x4], $0x80, s0, s20, $0xb8;
	[tilespmem:$0x1FEA0] =	vst v63  }
0x84: {  	_ =	swait.ge [sflag:s17], $0x2800  }
0x85: {  	[sflag:s17] =	ssyncset.done $0x0  }
0x86: {  	[sflag:s17] =	ssyncadd.s32 $0xFFFFD800  }
0x87: {  	_ =	swait.ge [sflag:s22], $0x2800  }
0x88: {  	[sflag:s22] =	ssyncset.done $0x0  }
0x89: {  	[sflag:s22] =	ssyncadd.s32 $0xFFFFD800  }
0x8a: {  	[spmem:s1] =	stream.indirect.scatter.add.f32 [tilespmem:s19], [sflag:$0x4], $0x80, s28, s20, $0xb8;
	[tilespmem:$0x1FEA0] =	vst v63  }
0x8b: {  	_ =	swait.ge [sflag:s17], $0x2800  }
0x8c: {  	[sflag:s17] =	ssyncset.done $0x0  }
0x8d: {  	[sflag:s17] =	ssyncadd.s32 $0xFFFFD800  }
0x8e: {  	_ =	swait.ge [sflag:s24], $0x2800  }
0x8f: {  	[sflag:s24] =	ssyncset.done $0x0  }
0x90: {  	[sflag:s24] =	ssyncadd.s32 $0xFFFFD800  }
0x91: {  	[spmem:s1] =	stream.indirect.scatter.add.f32 [tilespmem:s21], [sflag:$0x4], $0x80, s29, s20, $0xb8;
	[tilespmem:$0x1FEA0] =	vst v63  }
0x92: {  	_ =	swait.ge [sflag:s17], $0x2800  }
0x93: {  	s0 =	stileid.u32;
	s30 =	sadd.s32 $0x1, s30;
	[sflag:s17] =	ssyncset.done $0x0  }
0x94: {  	s0 =	sshll.u32 s0, $0x6;
	p0 =	sne.s32 s30, s10;
	[sflag:s17] =	ssyncadd.s32 $0xFFFFD800  }
.Ltmp2:
0x95: {  	s0 =	sor.u32 $0x1C04, s0;
	[bflag:$0x0] =	sbarrier.arrive $0xFFFF;
	(pc) =	sbr.rel @p0 .LBB2_1-.Ltmp2, $4  }
0x96: {  	[hbm:s9], [sflag:s0] =	dma.local [spmem:s25], $0x2710  }
0x97: {  	_ =	swait.ge [sflag:s17], $0x2710  }
0x98: {  	[sflag:s17] =	ssyncset.done $0x0  }
0x99: {  	[sflag:s17] =	ssyncadd.s32 $0xFFFFD8F0  }
0x9a: {  	_ =	sfence.sel $0x180000  }
0x9b: {  	[bflag:$0x0] =	sbarrier.arrive $0xFFFF  }
0x9c: {  	_ =	strace $0x9000004A  }
0x9d: {  	s0 =	stileid.u32;
	[bflag:$0x2] =	sbarrier.arrive $0xFFFF  }
0x9e: {  	p0 =	sne.s32 s0, $0x0;
	s0 =	rddreg [dreg:$0x2]  }
0x9f: {  	s0 =	sadd.s32 @!p0 $0x100000, s0  }
0xa0: {  	[sflag:s0] =	ssyncadd.tile.s32 @!p0 $0x1;
	_ =	shalt  }
.Lfunc_end2:
_tile_overlayer_lowered:
.L_overlay_start_2:
0xa1: {  	(tag) =	ssettag $0x2  }
0xa2: {  	s0 =	rddreg [dreg:$0x0];
	s2 =	stileid.u32  }
0xa3: {  	s1 =	rddreg [dreg:$0x1];
	p0 =	sne.s32 s2, $0x0  }
0xa4: {  	s3 =	rddreg [dreg:$0x2];
	[bflag:$0x3] =	sbarrier.arrive $0xFFFF;
	s2 =	simm.s32 @!p0 $0x1C04  }
0xa5: {  	[timem:s3], [sflag:s2] =	dma.local @!p0 [hbm:s0], s1  }
0xa6: {  	s0 =	simm.s32 @!p0 $0x4  }
0xa7: {  	_ =	swait.ge @!p0 [sflag:s0], s1  }
0xa8: {  	s1 =	ssub.s32 @!p0 $0x0, s1;
	[sflag:s0] =	ssyncset.done @!p0 $0x0  }
0xa9: {  	[sflag:s0] =	ssyncadd.s32 @!p0 s1  }
0xaa: {  	[bflag:$0x3] =	sbarrier.arrive $0xFFFF  }
0xab: {  	_ =	shalt  }

// kernel: kernel.14.cloned.1.call-start
scs
__scs_entry_jumppad:
0x0: {  	(pc) =	sbr.rel $0x88, $3  }
0x1: {  	(tag) =	ssettag $0x0;
	lr =	simm.s32 $0x1  }
0x2: {  	[smem:$0x3F98] =	sst lr;
	_ =	strace $0xD0000000  }
0x3: {  	_ = 	snop  }
0x4: {  	_ = 	snop  }
0x5: {  	_ = 	snop  }
0x6: {  	_ = 	snop  }
0x7: {  	_ = 	snop  }
__scs_overlays_trampoline_lowered:
0x8: {  	[smem:$0x3FA7] =	sst s0  }
0x9: {  	[smem:$0x3FA8] =	sst s1  }
0xa: {  	[smem:$0x3FA9] =	sst s2  }
0xb: {  	[smem:$0x3FAA] =	sst s3  }
0xc: {  	[smem:$0x3FAB] =	sst s4  }
0xd: {  	[smem:$0x3FAC] =	sst s5  }
0xe: {  	[smem:$0x3FAD] =	sst s6  }
0xf: {  	[smem:$0x3FAE] =	sst s7  }
0x10: {  	[smem:$0x3FAF] =	sst s8  }
0x11: {  	[smem:$0x3FB0] =	sst s9;
	s0 =	simm.s32 @!p0 $0x0  }
0x12: {  	s1 =	sld [smem:$0x3F96];
	s0 =	simm.s32 @p0 $0x1  }
0x13: {  	[smem:$0x3FB1] =	sst s0;
	s0 =	simm.s32 @!p1 $0x0  }
0x14: {  	s2 =	sld [smem:$0x3F95];
	s0 =	simm.s32 @p1 $0x1  }
0x15: {  	[smem:$0x3FB2] =	sst s0;
	s0 =	simm.s32 @!p2 $0x0  }
0x16: {  	s3 =	sld [smem:$0x3FDB];
	s0 =	simm.s32 @p2 $0x1  }
0x17: {  	s4 =	simm.s32 $0x1BF5;
	[smem:$0x3FB4] =	sst s0  }
0x18: {  	s0 =	sld [smem:$0x3F97];
	_ =	swait.ge [sflag:s4], $0x0  }
0x19: {  	s7 =	sld [smem:$0x3F98]  }
0x1a: {  	s8 =	sadd.s32 $0xFFFFE003, lr  }
0x1b: {  	s9 =	sadd.s32 $0xFFFFFEF7, lr;
	s5 =	simm.s32 $0xFFFFFFFF;
	p2 =	slt.u32 s8, $0xFFFFF086  }
0x1c: {  	p1 =	slt.u32 s9, $0xF7A;
	s5 =	simm.s32 @!p2 $0x0  }
0x1d: {  	s5 =	simm.s32 @p1 $0x1;
	p0 =	seq.s32 s7, s2  }
0x1e: {  	s7 =	smul.u32 @!p0 $0xF7A, s2;
	p2 =	seq.s32 @!p0 s5, $0x0  }
0x1f: {  	s9 =	smul.u32 $0xF7A, s1;
	s8 =	simm.s32 @!p0 $0x1BF5;
	p2 =	por !p2, p0  }
0x20: {  	[sflag:s8] =	ssyncset.s32 @!p0 $0xFFFFF086;
	s6 =	sadd.s32 @!p0 s3, s7;
	s7 =	simm.s32 @!p0 $0x108  }
0x21: {  	s3 =	sadd.s32 s3, s9;
	s6 =	sadd.s32 @!p0 $0x88, s6;
	s7 =	simm.s32 @p2 $0x1082  }
0x22: {  	[simem:s7], [sflag:s8] =	dma.local @!p0 [hbm:s6], $0xF7A  }
0x23: {  	s9 =	sor.u32 $0xD0000000, s2;
	s6 =	simm.s32 $0x108;
	_ =	swait.ge @!p0 [sflag:s8], $0x0  }
0x24: {  	s3 =	sadd.s32 $0x88, s3;
	s6 =	simm.s32 @!p1 $0x1082;
	[sflag:s4] =	ssyncset.s32 $0xFFFFF086  }
0x25: {  	[simem:s6], [sflag:s4] =	dma.local [hbm:s3], $0xF7A  }
0x26: {  	[smem:$0x3F98] =	sst s1;
	(tag) =	ssettag s2;
	_ =	strace s9  }
0x27: {  	s1 =	sld [smem:$0x3FA8]  }
0x28: {  	s2 =	sld [smem:$0x3FA9]  }
0x29: {  	s4 =	sld [smem:$0x3FAB]  }
0x2a: {  	p0 =	seq.s32 s5, $0x0;
	s5 =	sld [smem:$0x3FAC]  }
0x2b: {  	s6 =	sld [smem:$0x3FAD]  }
0x2c: {  	s7 =	sld [smem:$0x3FAE]  }
0x2d: {  	s3 =	simm.s32 $0x108;
	s8 =	sld [smem:$0x3FAF]  }
0x2e: {  	s3 =	simm.s32 @!p0 $0x1082;
	s9 =	sld [smem:$0x3FB0]  }
0x2f: {  	lr =	sadd.s32 s0, s3;
	s0 =	sld [smem:$0x3FA7]  }
0x30: {  	s3 =	sld [smem:$0x3FAA]  }
0x31: {  	[smem:$0x3FB3] =	sst s10  }
0x32: {  	s10 =	sld [smem:$0x3FB1];
	_ =	sdelay $0x3  }
0x33: {  	p0 =	seq.s32 s10, $0x1;
	s10 =	sld [smem:$0x3FB3];
	_ =	sdelay $0x3  }
0x34: {  	[smem:$0x3FB3] =	sst s10  }
0x35: {  	s10 =	sld [smem:$0x3FB2];
	_ =	sdelay $0x3  }
0x36: {  	p1 =	seq.s32 s10, $0x1;
	s10 =	sld [smem:$0x3FB3];
	_ =	sdelay $0x3  }
0x37: {  	[smem:$0x3FB3] =	sst s10  }
0x38: {  	s10 =	sld [smem:$0x3FB4]  }
0x39: {  	_ = 	snop;
	(pc) =	sbr.ind lr, $3  }
0x3a: {  	_ = 	snop  }
0x3b: {  	_ = 	snop  }
0x3c: {  	p2 =	seq.s32 s10, $0x1;
	s10 =	sld [smem:$0x3FB3]  }
0x3d: {  	_ =	shalt  }
0x3e: {  	_ =	shalt  }
0x3f: {  	_ =	shalt  }
0x40: {  	_ =	shalt  }
0x41: {  	_ =	shalt  }
0x42: {  	_ =	shalt  }
0x43: {  	_ =	shalt  }
0x44: {  	_ =	shalt  }
0x45: {  	_ =	shalt  }
0x46: {  	_ =	shalt  }
0x47: {  	_ =	shalt  }
0x48: {  	_ =	shalt  }
0x49: {  	_ =	shalt  }
0x4a: {  	_ =	shalt  }
0x4b: {  	_ =	shalt  }
0x4c: {  	_ =	shalt  }
0x4d: {  	_ =	shalt  }
0x4e: {  	_ =	shalt  }
0x4f: {  	_ =	shalt  }
0x50: {  	_ =	shalt  }
0x51: {  	_ =	shalt  }
0x52: {  	_ =	shalt  }
0x53: {  	_ =	shalt  }
0x54: {  	_ =	shalt  }
0x55: {  	_ =	shalt  }
0x56: {  	_ =	shalt  }
0x57: {  	_ =	shalt  }
0x58: {  	_ =	shalt  }
0x59: {  	_ =	shalt  }
0x5a: {  	_ =	shalt  }
0x5b: {  	_ =	shalt  }
0x5c: {  	_ =	shalt  }
0x5d: {  	_ =	shalt  }
0x5e: {  	_ =	shalt  }
0x5f: {  	_ =	shalt  }
0x60: {  	_ =	shalt  }
0x61: {  	_ =	shalt  }
0x62: {  	_ =	shalt  }
0x63: {  	_ =	shalt  }
0x64: {  	_ =	shalt  }
0x65: {  	_ =	shalt  }
0x66: {  	_ =	shalt  }
0x67: {  	_ =	shalt  }
0x68: {  	_ =	shalt  }
0x69: {  	_ =	shalt  }
0x6a: {  	_ =	shalt  }
0x6b: {  	_ =	shalt  }
0x6c: {  	_ =	shalt  }
0x6d: {  	_ =	shalt  }
0x6e: {  	_ =	shalt  }
0x6f: {  	_ =	shalt  }
0x70: {  	_ =	shalt  }
0x71: {  	_ =	shalt  }
0x72: {  	_ =	shalt  }
0x73: {  	_ =	shalt  }
0x74: {  	_ =	shalt  }
0x75: {  	_ =	shalt  }
0x76: {  	_ =	shalt  }
0x77: {  	_ =	shalt  }
0x78: {  	_ =	shalt  }
0x79: {  	_ =	shalt  }
0x7a: {  	_ =	shalt  }
0x7b: {  	_ =	shalt  }
0x7c: {  	_ =	shalt  }
0x7d: {  	_ =	shalt  }
0x7e: {  	_ =	shalt  }
0x7f: {  	_ =	shalt  }
0x80: {  	_ =	shalt  }
0x81: {  	_ =	shalt  }
0x82: {  	_ =	shalt  }
0x83: {  	_ =	shalt  }
0x84: {  	_ =	shalt  }
0x85: {  	_ =	shalt  }
0x86: {  	_ =	shalt  }
0x87: {  	_ =	shalt  }
.Lfunc_end0:
.L_simem_size_0:
called_computation.2_lowered:
.L_overlay_start_0:
0x88: {  	s2 =	sld [smem:$0x3FD9]  }
0x89: {  	s3 =	sld [smem:$0x3FFE];
	_ =	sdelay $0x1  }
0x8a: {  	s1 =	srdreg.scid  }
0x8b: {  	s0 =	sand.u32 $0x1, s1  }
0x8c: {  	s16 =	sshll.u32 s0, $0xA;
	s2 =	sadd.s32 s3, s2  }
0x8d: {  	s2 =	sadd.s32 s2, s16  }
0x8e: {  	[smem:$0x3FBF] =	sst s2  }
0x8f: {  	_ = 	snop  }
0x90: {  	(tm) =	ssettm $0x1  }
0x91: {  	s17 =	sld [smem:$0x3FFB];
	_ =	sdelay $0x3  }
0x92: {  	_ =	strace s17  }
0x93: {  	s2 =	sld [smem:$0x3FFC];
	_ =	sdelay $0x3  }
0x94: {  	_ =	strace s2  }
0x95: {  	s2 =	sld [smem:$0x3FFD];
	_ =	sdelay $0x3  }
0x96: {  	_ =	strace s2  }
0x97: {  	_ =	strace $0x8FFFFFFF  }
0x98: {  	s18 =	sld [smem:$0x3FDB];
	_ =	sdelay $0x1  }
0x99: {  	s19 =	simm.s32 $_scs_section_size  }
0x9a: {  	s4 =	simm.s32 $_size__tile_overlayer_lowered;
	s5 =	simm.s32 $_tile_overlayer_lowered  }
0x9b: {  	s22 =	simm.s32 $0x1BFF;
	s21 =	sshll.u32 s5, $0x1;
	s2 =	sadd.s32 s19, s18  }
0x9c: {  	s6 =	simm.s32 $0x0;
	s20 =	sshll.u32 s4, $0x1;
	s4 =	sadd.s32 s21, s2  }
0x9d: {  	[timem:s6], [sflag:s22] =	dma.local [hbm:s4], s20  }
0x9e: {  	_ =	swait.ge [sflag:s22], s20  }
0x9f: {  	s3 =	ssub.s32 $0x0, s20;
	[sflag:s22] =	ssyncset.done $0x0  }
0xa0: {  	[sflag:s22] =	ssyncadd.s32 s3;
	_ =	sdelay $0x1  }
0xa1: {  	s23 =	simm.s32 $0x1B8B  }
0xa2: {  	_ =	swait.ge [sflag:s23], $0x1  }
0xa3: {  	[sflag:s23] =	ssyncset.done $0x0  }
0xa4: {  	s25 =	simm.s32 $0x1B8E;
	s24 =	sld [smem:$0x3FFE];
	[sflag:s23] =	ssyncadd.s32 $0xFFFFFFFF  }
0xa5: {  	s26 =	simm.s32 $execute0_lowered;
	[smem:$0x3FD2] =	sst s25  }
0xa6: {  	s4 =	sshll.u32 s26, $0x1;
	_ =	strace $0x8000004C;
	[dreg:$0x1] =	wrdreg $0xFFFFFFFF  }
0xa7: {  	s28 =	simm.s32 $_size_execute0_lowered;
	s2 =	sadd.s32 s2, s4;
	[dreg:$0x0] =	wrdreg $0x0  }
0xa8: {  	s4 =	sshll.u32 s28, $0x1;
	[dreg:$0x2] =	wrdreg s2  }
0xa9: {  	[dreg:$0x3] =	wrdreg s4  }
0xaa: {  	[dreg:$0x4] =	wrdreg $0xC0  }
0xab: {  	_ =	task [dreg:s6], $0x5FFFF  }
0xac: {  	[dreg:$0x1] =	wrdreg $0xFFFFFFFF  }
0xad: {  	[dreg:$0x0] =	wrdreg $0x60  }
0xae: {  	[dreg:$0x2] =	wrdreg s24  }
0xaf: {  	[dreg:$0x3] =	wrdreg $0xC6200  }
0xb0: {  	[dreg:$0x4] =	wrdreg $0x9  }
0xb1: {  	_ =	task.clear_ibuf [dreg:s6], $0x5FFFF;
	_ =	strace $0x9000004C  }
0xb2: {  	s29 =	simm.s32 $0x9;
	_ =	strace $0x8000004E  }
0xb3: {  	_ =	swait.ge [sflag:s29], $0x1  }
0xb4: {  	[sflag:s29] =	ssyncadd.s32 $0xFFFFFFFF  }
0xb5: {  	_ =	strace $0x9000004E  }
0xb6: {  	_ =	sfence  }
0xb7: {  	s30 =	sld [smem:$0x0];
	_ =	sdelay $0x2  }
0xb8: {  	s31 =	sshll.u32 s1, $0xD;
	s1 =	sshrl.u32 s1, $0x2  }
0xb9: {  	s3 =	sand.u32 $0x4000, s31;
	s1 =	sadd.s32 s1, s30  }
0xba: {  	s0 =	sor.u32 s3, s0;
	s1 =	sshll.u32 s1, $0x11  }
0xbb: {  	s0 =	sor.u32 s1, s0  }
0xbc: {  	s0 =	sadd.s32 $0x8F2B, s0  }
0xbd: {  	[sflag:s0] =	ssyncadd.remote.s32 $0x1  }
0xbe: {  	_ =	sfence.sel $0xFFFF  }
0xbf: {  	[dreg:$0x0] =	wrdreg $0xFFFFFFFF;
	(pc) =	sbr.abs _section_cstart, $3  }
0xc0: {  	[dreg:$0x1] =	wrdreg $0xFFFFFFFF  }
0xc1: {  	_ =	task.clear_ibuf [dreg:s6], $0x2FFFF;
	_ =	strace $0x9FFFFFFF  }
0xc2: {  	(tm) =	ssettm $0x7FFFFFFF  }
0xc3: {  	_ =	shalt  }
tec
execute0_lowered:
.L_overlay_start_1:
0x0: {  	(tag) =	ssettag $0x1  }
0x1: {  	s0 =	rddreg [dreg:$0x0]  }
0x2: {  	s1 =	rddreg [dreg:$0x1];
	s2 =	srdreg.scid;
	s3 =	simm.s32 $0x0  }
0x3: {  	s25 =	stileid.u32;
	s17 =	simm.s32 $0x4;
	s18 =	simm.s32 $0x2710  }
0x4: {  	s19 =	simm.s32 $0x4E20;
	s20 =	simm.s32 $0x50;
	s21 =	simm.s32 $0x7620  }
0x5: {  	s22 =	simm.s32 $0x1;
	s23 =	simm.s32 $0x9E20;
	s24 =	simm.s32 $0x2  }
0x6: {  	s28 =	simm.s32 $0x4D80;
	s29 =	simm.s32 $0x4DD0;
	s10 =	smul.u32 $0x13880, s25  }
0x7: {  	s30 =	simm.s32 $0x0;
	s5 =	sand.u32 $0x1, s2;
	s8 =	smul.u32 $0x4E200, s25  }
0x8: {  	[smem:$0x7FF] =	sst s3;
	s4 =	sshll.u32 s5, $0x4;
	s6 =	smul.u32 $0x138800, s5  }
0x9: {  	_ =	strace $0x8000004D;
	s5 =	ssub.s32 $0x2, s5;
	s4 =	sor.u32 s25, s4  }
0xa: {  	s26 =	sshrl.u32 s5, $0x1;
	s8 =	sshrl.u32 s8, $0x2;
	s31 =	sadd.s32 s10, s1  }
0xb: {  	s7 =	smul.u32 $0x4E2, s4;
	s4 =	sadd.s32 $0x16E00, s0;
	s6 =	sadd.s32 s10, s6  }
0xc: {  	s11 =	ssub.s32 s5, s26;
	s25 =	sshrl.u32 s31, $0x3;
	s26 =	simm.s32 $0x3  }
0xd: {  	s6 =	sshrl.u32 s6, $0x3;
	s10 =	smax.u32 s11, $0x1;
	s7 =	sadd.s32 s7, s0  }
0xe: {  	s0 =	sadd.s32 s6, s0;
	s6 =	sadd.s32 s8, s1;
	s5 =	sadd.s32 $0x3200, s7  }
0xf: {  	s7 =	sadd.s32 $0xD000, s7;
	s8 =	sadd.s32 $0x11800, s6;
	s9 =	sadd.s32 $0x3E000, s0  }
0x10: {  	s11 =	sadd.s32 $0x2800, s6;
	s12 =	sadd.s32 $0x5000, s6;
	s13 =	sadd.s32 $0x7800, s6  }
0x11: {  	v0 =	vimm.f32 $0.0e+00;
	s14 =	sadd.s32 $0xA000, s6;
	s15 =	sadd.s32 $0xC800, s6;
	s16 =	sadd.s32 $0xF000, s6  }
.LBB2_1:
0x12: {  	[tilespmem:s3], [sflag:$0x4] =	stream.linear.gather [hbm4b:s5+s3], $0x2710, $0x38;
	[tilespmem:$0x1FEA0] =	vst v63  }
0x13: {  	_ =	swait.ge [sflag:s17], $0x2710  }
0x14: {  	[sflag:s17] =	ssyncset.done $0x0  }
0x15: {  	[sflag:s17] =	ssyncadd.s32 $0xFFFFD8F0  }
0x16: {  	[tilespmem:s18], [sflag:$0x4] =	stream.linear.gather [hbm4b:s7+s3], $0x2710, $0x38;
	[tilespmem:$0x1FEA0] =	vst v63  }
0x17: {  	_ =	swait.ge [sflag:s17], $0x2710  }
0x18: {  	[sflag:s17] =	ssyncset.done $0x0  }
0x19: {  	s31 =	simm.s32 $0x70;
	s0 =	simm.s32 $0x3C0;
	[sflag:s17] =	ssyncadd.s32 $0xFFFFD8F0  }
.LBB2_2:
0x1a: {  	p0 =	sne.s32 s0, $0x9FC0;
	[tilespmem:s31+$0x4E20] =	vst v0  }
0x1b: {  	[tilespmem:s31+$0x4DB0] =	vst v0  }
0x1c: {  	[tilespmem:s31+$0x4DC0] =	vst v0  }
.Ltmp0:
0x1d: {  	[tilespmem:s31+$0x4DD0] =	vst v0;
	(pc) =	sbr.rel @p0 .LBB2_2-.Ltmp0, $4  }
0x1e: {  	[tilespmem:s31+$0x4DE0] =	vst v0  }
0x1f: {  	[tilespmem:s31+$0x4DF0] =	vst v0  }
0x20: {  	[tilespmem:s31+$0x4E00] =	vst v0  }
0x21: {  	[tilespmem:s31+$0x4E10] =	vst v0;
	s31 =	sshra.s32 s0, $0x2;
	s0 =	sadd.s32 $0x200, s0  }
0x22: {  	[tilespmem:s31+$0x4E20] =	vst v0  }
0x23: {  	[tilespmem:s31+$0x4DB0] =	vst v0  }
0x24: {  	[tilespmem:s31+$0x4DC0] =	vst v0  }
0x25: {  	[tilespmem:s31+$0x4DD0] =	vst v0  }
0x26: {  	[tilespmem:s31+$0x4DE0] =	vst v0  }
0x27: {  	[tilespmem:s31+$0x4DF0] =	vst v0  }
0x28: {  	[tilespmem:s31+$0x4E00] =	vst v0  }
0x29: {  	[tilespmem:s31+$0x4E10] =	vst v0  }
0x2a: {  	[spmem:s6] =	stream.linear.scatter [tilespmem:s19], [sflag:$0x4], $0x2800, $0x38;
	[tilespmem:$0x1FEA0] =	vst v63  }
0x2b: {  	_ =	swait.ge [sflag:s17], $0x2800  }
0x2c: {  	[sflag:s17] =	ssyncset.done $0x0  }
0x2d: {  	[sflag:s17] =	ssyncadd.s32 $0xFFFFD800  }
0x2e: {  	[spmem:s11] =	stream.linear.scatter [tilespmem:s19], [sflag:$0x4], $0x2800, $0x38;
	[tilespmem:$0x1FEA0] =	vst v63  }
0x2f: {  	_ =	swait.ge [sflag:s17], $0x2800  }
0x30: {  	[sflag:s17] =	ssyncset.done $0x0  }
0x31: {  	[sflag:s17] =	ssyncadd.s32 $0xFFFFD800  }
0x32: {  	[spmem:s12] =	stream.linear.scatter [tilespmem:s19], [sflag:$0x4], $0x2800, $0x38;
	[tilespmem:$0x1FEA0] =	vst v63  }
0x33: {  	_ =	swait.ge [sflag:s17], $0x2800  }
0x34: {  	[sflag:s17] =	ssyncset.done $0x0  }
0x35: {  	[sflag:s17] =	ssyncadd.s32 $0xFFFFD800  }
0x36: {  	[spmem:s13] =	stream.linear.scatter [tilespmem:s19], [sflag:$0x4], $0x2800, $0x38;
	[tilespmem:$0x1FEA0] =	vst v63  }
0x37: {  	_ =	swait.ge [sflag:s17], $0x2800  }
0x38: {  	[sflag:s17] =	ssyncset.done $0x0  }
0x39: {  	[sflag:s17] =	ssyncadd.s32 $0xFFFFD800  }
0x3a: {  	[spmem:s14] =	stream.linear.scatter [tilespmem:s19], [sflag:$0x4], $0x2800, $0x38;
	[tilespmem:$0x1FEA0] =	vst v63  }
0x3b: {  	_ =	swait.ge [sflag:s17], $0x2800  }
0x3c: {  	[sflag:s17] =	ssyncset.done $0x0  }
0x3d: {  	[sflag:s17] =	ssyncadd.s32 $0xFFFFD800  }
0x3e: {  	[spmem:s15] =	stream.linear.scatter [tilespmem:s19], [sflag:$0x4], $0x2800, $0x38;
	[tilespmem:$0x1FEA0] =	vst v63  }
0x3f: {  	_ =	swait.ge [sflag:s17], $0x2800  }
0x40: {  	[sflag:s17] =	ssyncset.done $0x0  }
0x41: {  	[sflag:s17] =	ssyncadd.s32 $0xFFFFD800  }
0x42: {  	[spmem:s16] =	stream.linear.scatter [tilespmem:s19], [sflag:$0x4], $0x2800, $0x38;
	[tilespmem:$0x1FEA0] =	vst v63  }
0x43: {  	_ =	swait.ge [sflag:s17], $0x2800  }
0x44: {  	[sflag:s17] =	ssyncset.done $0x0  }
0x45: {  	[sflag:s17] =	ssyncadd.s32 $0xFFFFD800  }
0x46: {  	[spmem:s8] =	stream.linear.scatter [tilespmem:s19], [sflag:$0x4], $0x2080, $0x38;
	[tilespmem:$0x1FEA0] =	vst v63  }
0x47: {  	_ =	swait.ge [sflag:s17], $0x2080  }
0x48: {  	[sflag:s17] =	ssyncset.done $0x0  }
0x49: {  	[sflag:s17] =	ssyncadd.s32 $0xFFFFDF80  }
0x4a: {  	s0 =	simm.s32 $0x0;
	[bflag:$0x0] =	sbarrier.arrive $0xFFFF  }
0x4b: {  	[tilespmem:s19], [sflag:$0x1] =	stream.indirect.gather [hbm4b:s4+s20], $0x80, s0, s20, $0xb8;
	[tilespmem:$0x1FEA0] =	vst v63  }
0x4c: {  	_ = 	snop  }
0x4d: {  	[tilespmem:s21], [sflag:$0x2] =	stream.indirect.gather [hbm4b:s4+s20], $0x80, s20, s20, $0xb8;
	[tilespmem:$0x1FEA0] =	vst v63  }
0x4e: {  	_ =	swait.ge [sflag:s22], $0x2800  }
0x4f: {  	[sflag:s22] =	ssyncset.done $0x0  }
0x50: {  	s2 =	simm.s32 $0xA0;
	[sflag:s22] =	ssyncadd.s32 $0xFFFFD800  }
0x51: {  	[tilespmem:s23], [sflag:$0x3] =	stream.indirect.gather [hbm4b:s4+s20], $0x80, s2, s20, $0xb8;
	[tilespmem:$0x1FEA0] =	vst v63  }
0x52: {  	s2 =	simm.s32 $0x2710  }
0x53: {  	[spmem:s1] =	stream.indirect.scatter.add.f32 [tilespmem:s19], [sflag:$0x4], $0x80, s2, s20, $0xb8;
	[tilespmem:$0x1FEA0] =	vst v63  }
0x54: {  	_ =	swait.ge [sflag:s17], $0x2800  }
0x55: {  	[sflag:s17] =	ssyncset.done $0x0  }
0x56: {  	[sflag:s17] =	ssyncadd.s32 $0xFFFFD800  }
0x57: {  	_ =	swait.ge [sflag:s24], $0x2800  }
0x58: {  	[sflag:s24] =	ssyncset.done $0x0  }
0x59: {  	s2 =	simm.s32 $0xF0;
	[sflag:s24] =	ssyncadd.s32 $0xFFFFD800  }
0x5a: {  	[tilespmem:s19], [sflag:$0x1] =	stream.indirect.gather [hbm4b:s4+s20], $0x80, s2, s20, $0xb8;
	[tilespmem:$0x1FEA0] =	vst v63  }
0x5b: {  	s2 =	simm.s32 $0x2760  }
0x5c: {  	[spmem:s1] =	stream.indirect.scatter.add.f32 [tilespmem:s21], [sflag:$0x4], $0x80, s2, s20, $0xb8;
	[tilespmem:$0x1FEA0] =	vst v63  }
0x5d: {  	_ =	swait.ge [sflag:s17], $0x2800  }
0x5e: {  	[sflag:s17] =	ssyncset.done $0x0  }
0x5f: {  	[sflag:s17] =	ssyncadd.s32 $0xFFFFD800  }
0x60: {  	_ =	swait.ge [sflag:s26], $0x2800  }
0x61: {  	[sflag:s26] =	ssyncset.done $0x0  }
0x62: {  	s2 =	simm.s32 $0x140;
	[sflag:s26] =	ssyncadd.s32 $0xFFFFD800  }
0x63: {  	[tilespmem:s21], [sflag:$0x2] =	stream.indirect.gather [hbm4b:s4+s20], $0x80, s2, s20, $0xb8;
	[tilespmem:$0x1FEA0] =	vst v63  }
0x64: {  	s2 =	simm.s32 $0x27B0  }
0x65: {  	[spmem:s1] =	stream.indirect.scatter.add.f32 [tilespmem:s23], [sflag:$0x4], $0x80, s2, s20, $0xb8;
	[tilespmem:$0x1FEA0] =	vst v63  }
0x66: {  	_ =	swait.ge [sflag:s17], $0x2800  }
0x67: {  	s31 =	simm.s32 $0x3C0;
	[sflag:s17] =	ssyncset.done $0x0  }
.LBB2_4:
0x68: {  	p0 =	sne.s32 s31, $0x9600  }
0x69: {  	[sflag:s17] =	ssyncadd.s32 $0xFFFFD800;
	s0 =	smov.u32 s31;
	s31 =	sadd.s32 $0x3C0, s31  }
0x6a: {  	_ = 	snop  }
0x6b: {  	_ =	swait.ge [sflag:s22], $0x2800  }
0x6c: {  	s0 =	sshra.s32 s0, $0x2;
	[sflag:s22] =	ssyncset.done $0x0  }
0x6d: {  	s2 =	sadd.s32 $0xA0, s0;
	[sflag:s22] =	ssyncadd.s32 $0xFFFFD800  }
0x6e: {  	[tilespmem:s23], [sflag:$0x3] =	stream.indirect.gather [hbm4b:s4+s20], $0x80, s2, s20, $0xb8;
	[tilespmem:$0x1FEA0] =	vst v63  }
0x6f: {  	s2 =	sadd.s32 $0x2710, s0  }
0x70: {  	[spmem:s1] =	stream.indirect.scatter.add.f32 [tilespmem:s19], [sflag:$0x4], $0x80, s2, s20, $0xb8;
	[tilespmem:$0x1FEA0] =	vst v63  }
0x71: {  	_ =	swait.ge [sflag:s17], $0x2800  }
0x72: {  	[sflag:s17] =	ssyncset.done $0x0  }
0x73: {  	[sflag:s17] =	ssyncadd.s32 $0xFFFFD800  }
0x74: {  	_ =	swait.ge [sflag:s24], $0x2800  }
0x75: {  	[sflag:s24] =	ssyncset.done $0x0  }
0x76: {  	s2 =	sadd.s32 $0xF0, s0;
	[sflag:s24] =	ssyncadd.s32 $0xFFFFD800  }
0x77: {  	[tilespmem:s19], [sflag:$0x1] =	stream.indirect.gather [hbm4b:s4+s20], $0x80, s2, s20, $0xb8;
	[tilespmem:$0x1FEA0] =	vst v63  }
0x78: {  	s2 =	sadd.s32 $0x2760, s0  }
0x79: {  	[spmem:s1] =	stream.indirect.scatter.add.f32 [tilespmem:s21], [sflag:$0x4], $0x80, s2, s20, $0xb8;
	[tilespmem:$0x1FEA0] =	vst v63  }
0x7a: {  	_ =	swait.ge [sflag:s17], $0x2800  }
0x7b: {  	[sflag:s17] =	ssyncset.done $0x0  }
0x7c: {  	[sflag:s17] =	ssyncadd.s32 $0xFFFFD800  }
0x7d: {  	_ =	swait.ge [sflag:s26], $0x2800  }
0x7e: {  	[sflag:s26] =	ssyncset.done $0x0  }
0x7f: {  	s2 =	sadd.s32 $0x140, s0;
	[sflag:s26] =	ssyncadd.s32 $0xFFFFD800  }
0x80: {  	[tilespmem:s21], [sflag:$0x2] =	stream.indirect.gather [hbm4b:s4+s20], $0x80, s2, s20, $0xb8;
	[tilespmem:$0x1FEA0] =	vst v63  }
.Ltmp1:
0x81: {  	_ = 	snop;
	(pc) =	sbr.rel @p0 .LBB2_4-.Ltmp1, $4  }
0x82: {  	s0 =	sadd.s32 $0x27B0, s0  }
0x83: {  	[spmem:s1] =	stream.indirect.scatter.add.f32 [tilespmem:s23], [sflag:$0x4], $0x80, s0, s20, $0xb8;
	[tilespmem:$0x1FEA0] =	vst v63  }
0x84: {  	_ =	swait.ge [sflag:s17], $0x2800  }
0x85: {  	[sflag:s17] =	ssyncset.done $0x0  }
0x86: {  	[sflag:s17] =	ssyncadd.s32 $0xFFFFD800  }
0x87: {  	_ =	swait.ge [sflag:s22], $0x2800  }
0x88: {  	[sflag:s22] =	ssyncset.done $0x0  }
0x89: {  	[sflag:s22] =	ssyncadd.s32 $0xFFFFD800  }
0x8a: {  	[spmem:s1] =	stream.indirect.scatter.add.f32 [tilespmem:s19], [sflag:$0x4], $0x80, s28, s20, $0xb8;
	[tilespmem:$0x1FEA0] =	vst v63  }
0x8b: {  	_ =	swait.ge [sflag:s17], $0x2800  }
0x8c: {  	[sflag:s17] =	ssyncset.done $0x0  }
0x8d: {  	[sflag:s17] =	ssyncadd.s32 $0xFFFFD800  }
0x8e: {  	_ =	swait.ge [sflag:s24], $0x2800  }
0x8f: {  	[sflag:s24] =	ssyncset.done $0x0  }
0x90: {  	[sflag:s24] =	ssyncadd.s32 $0xFFFFD800  }
0x91: {  	[spmem:s1] =	stream.indirect.scatter.add.f32 [tilespmem:s21], [sflag:$0x4], $0x80, s29, s20, $0xb8;
	[tilespmem:$0x1FEA0] =	vst v63  }
0x92: {  	_ =	swait.ge [sflag:s17], $0x2800  }
0x93: {  	s0 =	stileid.u32;
	s30 =	sadd.s32 $0x1, s30;
	[sflag:s17] =	ssyncset.done $0x0  }
0x94: {  	s0 =	sshll.u32 s0, $0x6;
	p0 =	sne.s32 s30, s10;
	[sflag:s17] =	ssyncadd.s32 $0xFFFFD800  }
.Ltmp2:
0x95: {  	s0 =	sor.u32 $0x1C04, s0;
	[bflag:$0x0] =	sbarrier.arrive $0xFFFF;
	(pc) =	sbr.rel @p0 .LBB2_1-.Ltmp2, $4  }
0x96: {  	[hbm:s9], [sflag:s0] =	dma.local [spmem:s25], $0x2710  }
0x97: {  	_ =	swait.ge [sflag:s17], $0x2710  }
0x98: {  	[sflag:s17] =	ssyncset.done $0x0  }
0x99: {  	[sflag:s17] =	ssyncadd.s32 $0xFFFFD8F0  }
0x9a: {  	_ =	sfence.sel $0x180000  }
0x9b: {  	[bflag:$0x0] =	sbarrier.arrive $0xFFFF  }
0x9c: {  	_ =	strace $0x9000004D  }
0x9d: {  	s0 =	stileid.u32;
	[bflag:$0x2] =	sbarrier.arrive $0xFFFF  }
0x9e: {  	p0 =	sne.s32 s0, $0x0;
	s0 =	rddreg [dreg:$0x2]  }
0x9f: {  	s0 =	sadd.s32 @!p0 $0x100000, s0  }
0xa0: {  	[sflag:s0] =	ssyncadd.tile.s32 @!p0 $0x1;
	_ =	shalt  }
.Lfunc_end2:
_tile_overlayer_lowered:
.L_overlay_start_2:
0xa1: {  	(tag) =	ssettag $0x2  }
0xa2: {  	s0 =	rddreg [dreg:$0x0];
	s2 =	stileid.u32  }
0xa3: {  	s1 =	rddreg [dreg:$0x1];
	p0 =	sne.s32 s2, $0x0  }
0xa4: {  	s3 =	rddreg [dreg:$0x2];
	[bflag:$0x3] =	sbarrier.arrive $0xFFFF;
	s2 =	simm.s32 @!p0 $0x1C04  }
0xa5: {  	[timem:s3], [sflag:s2] =	dma.local @!p0 [hbm:s0], s1  }
0xa6: {  	s0 =	simm.s32 @!p0 $0x4  }
0xa7: {  	_ =	swait.ge @!p0 [sflag:s0], s1  }
0xa8: {  	s1 =	ssub.s32 @!p0 $0x0, s1;
	[sflag:s0] =	ssyncset.done @!p0 $0x0  }
0xa9: {  	[sflag:s0] =	ssyncadd.s32 @!p0 s1  }
0xaa: {  	[bflag:$0x3] =	sbarrier.arrive $0xFFFF  }
0xab: {  	_ =	shalt  }

// kernel: kernel.8.cloned.1.call-start
scs
__scs_entry_jumppad:
0x0: {  	(pc) =	sbr.rel $0x88, $3  }
0x1: {  	(tag) =	ssettag $0x0;
	lr =	simm.s32 $0x1  }
0x2: {  	[smem:$0x3F98] =	sst lr;
	_ =	strace $0xD0000000  }
0x3: {  	_ = 	snop  }
0x4: {  	_ = 	snop  }
0x5: {  	_ = 	snop  }
0x6: {  	_ = 	snop  }
0x7: {  	_ = 	snop  }
__scs_overlays_trampoline_lowered:
0x8: {  	[smem:$0x3FA7] =	sst s0  }
0x9: {  	[smem:$0x3FA8] =	sst s1  }
0xa: {  	[smem:$0x3FA9] =	sst s2  }
0xb: {  	[smem:$0x3FAA] =	sst s3  }
0xc: {  	[smem:$0x3FAB] =	sst s4  }
0xd: {  	[smem:$0x3FAC] =	sst s5  }
0xe: {  	[smem:$0x3FAD] =	sst s6  }
0xf: {  	[smem:$0x3FAE] =	sst s7  }
0x10: {  	[smem:$0x3FAF] =	sst s8  }
0x11: {  	[smem:$0x3FB0] =	sst s9;
	s0 =	simm.s32 @!p0 $0x0  }
0x12: {  	s1 =	sld [smem:$0x3F96];
	s0 =	simm.s32 @p0 $0x1  }
0x13: {  	[smem:$0x3FB1] =	sst s0;
	s0 =	simm.s32 @!p1 $0x0  }
0x14: {  	s2 =	sld [smem:$0x3F95];
	s0 =	simm.s32 @p1 $0x1  }
0x15: {  	[smem:$0x3FB2] =	sst s0;
	s0 =	simm.s32 @!p2 $0x0  }
0x16: {  	s3 =	sld [smem:$0x3FDB];
	s0 =	simm.s32 @p2 $0x1  }
0x17: {  	s4 =	simm.s32 $0x1BF5;
	[smem:$0x3FB4] =	sst s0  }
0x18: {  	s0 =	sld [smem:$0x3F97];
	_ =	swait.ge [sflag:s4], $0x0  }
0x19: {  	s7 =	sld [smem:$0x3F98]  }
0x1a: {  	s8 =	sadd.s32 $0xFFFFE003, lr  }
0x1b: {  	s9 =	sadd.s32 $0xFFFFFEF7, lr;
	s5 =	simm.s32 $0xFFFFFFFF;
	p2 =	slt.u32 s8, $0xFFFFF086  }
0x1c: {  	p1 =	slt.u32 s9, $0xF7A;
	s5 =	simm.s32 @!p2 $0x0  }
0x1d: {  	s5 =	simm.s32 @p1 $0x1;
	p0 =	seq.s32 s7, s2  }
0x1e: {  	s7 =	smul.u32 @!p0 $0xF7A, s2;
	p2 =	seq.s32 @!p0 s5, $0x0  }
0x1f: {  	s9 =	smul.u32 $0xF7A, s1;
	s8 =	simm.s32 @!p0 $0x1BF5;
	p2 =	por !p2, p0  }
0x20: {  	[sflag:s8] =	ssyncset.s32 @!p0 $0xFFFFF086;
	s6 =	sadd.s32 @!p0 s3, s7;
	s7 =	simm.s32 @!p0 $0x108  }
0x21: {  	s3 =	sadd.s32 s3, s9;
	s6 =	sadd.s32 @!p0 $0x88, s6;
	s7 =	simm.s32 @p2 $0x1082  }
0x22: {  	[simem:s7], [sflag:s8] =	dma.local @!p0 [hbm:s6], $0xF7A  }
0x23: {  	s9 =	sor.u32 $0xD0000000, s2;
	s6 =	simm.s32 $0x108;
	_ =	swait.ge @!p0 [sflag:s8], $0x0  }
0x24: {  	s3 =	sadd.s32 $0x88, s3;
	s6 =	simm.s32 @!p1 $0x1082;
	[sflag:s4] =	ssyncset.s32 $0xFFFFF086  }
0x25: {  	[simem:s6], [sflag:s4] =	dma.local [hbm:s3], $0xF7A  }
0x26: {  	[smem:$0x3F98] =	sst s1;
	(tag) =	ssettag s2;
	_ =	strace s9  }
0x27: {  	s1 =	sld [smem:$0x3FA8]  }
0x28: {  	s2 =	sld [smem:$0x3FA9]  }
0x29: {  	s4 =	sld [smem:$0x3FAB]  }
0x2a: {  	p0 =	seq.s32 s5, $0x0;
	s5 =	sld [smem:$0x3FAC]  }
0x2b: {  	s6 =	sld [smem:$0x3FAD]  }
0x2c: {  	s7 =	sld [smem:$0x3FAE]  }
0x2d: {  	s3 =	simm.s32 $0x108;
	s8 =	sld [smem:$0x3FAF]  }
0x2e: {  	s3 =	simm.s32 @!p0 $0x1082;
	s9 =	sld [smem:$0x3FB0]  }
0x2f: {  	lr =	sadd.s32 s0, s3;
	s0 =	sld [smem:$0x3FA7]  }
0x30: {  	s3 =	sld [smem:$0x3FAA]  }
0x31: {  	[smem:$0x3FB3] =	sst s10  }
0x32: {  	s10 =	sld [smem:$0x3FB1];
	_ =	sdelay $0x3  }
0x33: {  	p0 =	seq.s32 s10, $0x1;
	s10 =	sld [smem:$0x3FB3];
	_ =	sdelay $0x3  }
0x34: {  	[smem:$0x3FB3] =	sst s10  }
0x35: {  	s10 =	sld [smem:$0x3FB2];
	_ =	sdelay $0x3  }
0x36: {  	p1 =	seq.s32 s10, $0x1;
	s10 =	sld [smem:$0x3FB3];
	_ =	sdelay $0x3  }
0x37: {  	[smem:$0x3FB3] =	sst s10  }
0x38: {  	s10 =	sld [smem:$0x3FB4]  }
0x39: {  	_ = 	snop;
	(pc) =	sbr.ind lr, $3  }
0x3a: {  	_ = 	snop  }
0x3b: {  	_ = 	snop  }
0x3c: {  	p2 =	seq.s32 s10, $0x1;
	s10 =	sld [smem:$0x3FB3]  }
0x3d: {  	_ =	shalt  }
0x3e: {  	_ =	shalt  }
0x3f: {  	_ =	shalt  }
0x40: {  	_ =	shalt  }
0x41: {  	_ =	shalt  }
0x42: {  	_ =	shalt  }
0x43: {  	_ =	shalt  }
0x44: {  	_ =	shalt  }
0x45: {  	_ =	shalt  }
0x46: {  	_ =	shalt  }
0x47: {  	_ =	shalt  }
0x48: {  	_ =	shalt  }
0x49: {  	_ =	shalt  }
0x4a: {  	_ =	shalt  }
0x4b: {  	_ =	shalt  }
0x4c: {  	_ =	shalt  }
0x4d: {  	_ =	shalt  }
0x4e: {  	_ =	shalt  }
0x4f: {  	_ =	shalt  }
0x50: {  	_ =	shalt  }
0x51: {  	_ =	shalt  }
0x52: {  	_ =	shalt  }
0x53: {  	_ =	shalt  }
0x54: {  	_ =	shalt  }
0x55: {  	_ =	shalt  }
0x56: {  	_ =	shalt  }
0x57: {  	_ =	shalt  }
0x58: {  	_ =	shalt  }
0x59: {  	_ =	shalt  }
0x5a: {  	_ =	shalt  }
0x5b: {  	_ =	shalt  }
0x5c: {  	_ =	shalt  }
0x5d: {  	_ =	shalt  }
0x5e: {  	_ =	shalt  }
0x5f: {  	_ =	shalt  }
0x60: {  	_ =	shalt  }
0x61: {  	_ =	shalt  }
0x62: {  	_ =	shalt  }
0x63: {  	_ =	shalt  }
0x64: {  	_ =	shalt  }
0x65: {  	_ =	shalt  }
0x66: {  	_ =	shalt  }
0x67: {  	_ =	shalt  }
0x68: {  	_ =	shalt  }
0x69: {  	_ =	shalt  }
0x6a: {  	_ =	shalt  }
0x6b: {  	_ =	shalt  }
0x6c: {  	_ =	shalt  }
0x6d: {  	_ =	shalt  }
0x6e: {  	_ =	shalt  }
0x6f: {  	_ =	shalt  }
0x70: {  	_ =	shalt  }
0x71: {  	_ =	shalt  }
0x72: {  	_ =	shalt  }
0x73: {  	_ =	shalt  }
0x74: {  	_ =	shalt  }
0x75: {  	_ =	shalt  }
0x76: {  	_ =	shalt  }
0x77: {  	_ =	shalt  }
0x78: {  	_ =	shalt  }
0x79: {  	_ =	shalt  }
0x7a: {  	_ =	shalt  }
0x7b: {  	_ =	shalt  }
0x7c: {  	_ =	shalt  }
0x7d: {  	_ =	shalt  }
0x7e: {  	_ =	shalt  }
0x7f: {  	_ =	shalt  }
0x80: {  	_ =	shalt  }
0x81: {  	_ =	shalt  }
0x82: {  	_ =	shalt  }
0x83: {  	_ =	shalt  }
0x84: {  	_ =	shalt  }
0x85: {  	_ =	shalt  }
0x86: {  	_ =	shalt  }
0x87: {  	_ =	shalt  }
.Lfunc_end0:
.L_simem_size_0:
called_computation_lowered:
.L_overlay_start_0:
0x88: {  	s2 =	sld [smem:$0x3FD9]  }
0x89: {  	s3 =	sld [smem:$0x3FFE];
	_ =	sdelay $0x1  }
0x8a: {  	s1 =	srdreg.scid  }
0x8b: {  	s0 =	sand.u32 $0x1, s1  }
0x8c: {  	s16 =	sshll.u32 s0, $0xA;
	s2 =	sadd.s32 s3, s2  }
0x8d: {  	s2 =	sadd.s32 s2, s16  }
0x8e: {  	[smem:$0x3FBF] =	sst s2  }
0x8f: {  	_ = 	snop  }
0x90: {  	(tm) =	ssettm $0x1  }
0x91: {  	s17 =	sld [smem:$0x3FFB];
	_ =	sdelay $0x3  }
0x92: {  	_ =	strace s17  }
0x93: {  	s2 =	sld [smem:$0x3FFC];
	_ =	sdelay $0x3  }
0x94: {  	_ =	strace s2  }
0x95: {  	s2 =	sld [smem:$0x3FFD];
	_ =	sdelay $0x3  }
0x96: {  	_ =	strace s2  }
0x97: {  	_ =	strace $0x8FFFFFFF  }
0x98: {  	s18 =	sld [smem:$0x3FDB];
	_ =	sdelay $0x1  }
0x99: {  	s19 =	simm.s32 $_scs_section_size  }
0x9a: {  	s4 =	simm.s32 $_size__tile_overlayer_lowered;
	s5 =	simm.s32 $_tile_overlayer_lowered  }
0x9b: {  	s22 =	simm.s32 $0x1BFF;
	s21 =	sshll.u32 s5, $0x1;
	s2 =	sadd.s32 s19, s18  }
0x9c: {  	s6 =	simm.s32 $0x0;
	s20 =	sshll.u32 s4, $0x1;
	s4 =	sadd.s32 s21, s2  }
0x9d: {  	[timem:s6], [sflag:s22] =	dma.local [hbm:s4], s20  }
0x9e: {  	_ =	swait.ge [sflag:s22], s20  }
0x9f: {  	s3 =	ssub.s32 $0x0, s20;
	[sflag:s22] =	ssyncset.done $0x0  }
0xa0: {  	[sflag:s22] =	ssyncadd.s32 s3;
	_ =	sdelay $0x1  }
0xa1: {  	s23 =	simm.s32 $0x1B8B  }
0xa2: {  	_ =	swait.ge [sflag:s23], $0x1  }
0xa3: {  	[sflag:s23] =	ssyncset.done $0x0  }
0xa4: {  	s25 =	simm.s32 $0x1B8E;
	s24 =	sld [smem:$0x3FFE];
	[sflag:s23] =	ssyncadd.s32 $0xFFFFFFFF  }
0xa5: {  	s26 =	simm.s32 $execute0_lowered;
	[smem:$0x3FD2] =	sst s25  }
0xa6: {  	s4 =	sshll.u32 s26, $0x1;
	_ =	strace $0x80000046;
	[dreg:$0x1] =	wrdreg $0xFFFFFFFF  }
0xa7: {  	s28 =	simm.s32 $_size_execute0_lowered;
	s2 =	sadd.s32 s2, s4;
	[dreg:$0x0] =	wrdreg $0x0  }
0xa8: {  	s4 =	sshll.u32 s28, $0x1;
	[dreg:$0x2] =	wrdreg s2  }
0xa9: {  	[dreg:$0x3] =	wrdreg s4  }
0xaa: {  	[dreg:$0x4] =	wrdreg $0xC0  }
0xab: {  	_ =	task [dreg:s6], $0x5FFFF  }
0xac: {  	[dreg:$0x1] =	wrdreg $0xFFFFFFFF  }
0xad: {  	[dreg:$0x0] =	wrdreg $0x60  }
0xae: {  	[dreg:$0x2] =	wrdreg s24  }
0xaf: {  	[dreg:$0x3] =	wrdreg $0x40100  }
0xb0: {  	[dreg:$0x4] =	wrdreg $0x9  }
0xb1: {  	_ =	task.clear_ibuf [dreg:s6], $0x5FFFF;
	_ =	strace $0x90000046  }
0xb2: {  	s29 =	simm.s32 $0x9;
	_ =	strace $0x80000048  }
0xb3: {  	_ =	swait.ge [sflag:s29], $0x1  }
0xb4: {  	[sflag:s29] =	ssyncadd.s32 $0xFFFFFFFF  }
0xb5: {  	_ =	strace $0x90000048  }
0xb6: {  	_ =	sfence  }
0xb7: {  	s30 =	sld [smem:$0x0];
	_ =	sdelay $0x2  }
0xb8: {  	s31 =	sshll.u32 s1, $0xD;
	s1 =	sshrl.u32 s1, $0x2  }
0xb9: {  	s3 =	sand.u32 $0x4000, s31;
	s1 =	sadd.s32 s1, s30  }
0xba: {  	s0 =	sor.u32 s3, s0;
	s1 =	sshll.u32 s1, $0x11  }
0xbb: {  	s0 =	sor.u32 s1, s0  }
0xbc: {  	s0 =	sadd.s32 $0x8F2B, s0  }
0xbd: {  	[sflag:s0] =	ssyncadd.remote.s32 $0x1  }
0xbe: {  	_ =	sfence.sel $0xFFFF  }
0xbf: {  	[dreg:$0x0] =	wrdreg $0xFFFFFFFF;
	(pc) =	sbr.abs _section_cstart, $3  }
0xc0: {  	[dreg:$0x1] =	wrdreg $0xFFFFFFFF  }
0xc1: {  	_ =	task.clear_ibuf [dreg:s6], $0x2FFFF;
	_ =	strace $0x9FFFFFFF  }
0xc2: {  	(tm) =	ssettm $0x7FFFFFFF  }
0xc3: {  	_ =	shalt  }
tec
execute0_lowered:
.L_overlay_start_1:
0x0: {  	(tag) =	ssettag $0x1  }
0x1: {  	s5 =	rddreg [dreg:$0x0]  }
0x2: {  	s0 =	srdreg.scid;
	s2 =	rddreg [dreg:$0x1]  }
0x3: {  	s3 =	simm.s32 $0x0;
	s4 =	sand.u32 $0x1, s0;
	s0 =	stileid.u32  }
0x4: {  	s11 =	simm.s32 $0x190;
	s14 =	simm.s32 $0x0;
	s7 =	smul.u32 $0x2710, s0  }
0x5: {  	[smem:$0x7FF] =	sst s3;
	s1 =	sshll.u32 s4, $0x4;
	s8 =	smul.u32 $0x27100, s4  }
0x6: {  	s9 =	smul.u32 $0x9C40, s0;
	s4 =	ssub.s32 $0x2, s4;
	s12 =	sshll.u32 s0, $0x6  }
0x7: {  	s1 =	sor.u32 s0, s1;
	s10 =	sshrl.u32 s4, $0x1;
	s12 =	sor.u32 $0x1C01, s12  }
0x8: {  	s6 =	smul.u32 $0x4E2, s1;
	s1 =	rddreg [dreg:$0x2];
	_ =	strace $0x80000047  }
0x9: {  	s8 =	sadd.s32 s7, s8;
	s9 =	sshrl.u32 s9, $0x2;
	s10 =	ssub.s32 s4, s10  }
0xa: {  	s8 =	sshrl.u32 s8, $0x3;
	s9 =	sadd.s32 s9, s2;
	s6 =	sadd.s32 s6, s5  }
0xb: {  	s8 =	sadd.s32 s8, s5;
	s5 =	sadd.s32 s7, s2;
	s4 =	sadd.s32 $0xD000, s6  }
0xc: {  	s6 =	sadd.s32 $0x1900, s9;
	s7 =	sadd.s32 $0x16E00, s8;
	s8 =	smax.u32 s10, $0x1  }
0xd: {  	v0 =	vimm.f32 $0.0e+00;
	v1 =	vimm.f32 $1.000000000e+00;
	s9 =	simm.s32 $0x1;
	s10 =	simm.s32 $0x2710;
	s13 =	sshrl.u32 s5, $0x3  }
.LBB2_1:
0xe: {  	[tilespmem:s3], [sflag:$0x1] =	stream.linear.gather [hbm4b:s4+s3], $0x2710, $0x38;
	[tilespmem:$0x6720] =	vst v63  }
0xf: {  	_ =	swait.ge [sflag:s9], $0x2710  }
0x10: {  	[sflag:s9] =	ssyncset.done $0x0  }
0x11: {  	s15 =	simm.s32 $0x40;
	s16 =	simm.s32 $0x0;
	[sflag:s9] =	ssyncadd.s32 $0xFFFFD8F0  }
.LBB2_2:
0x12: {  	p0 =	sne.s32 s15, $0x63C0;
	[tilespmem:s16+$0x2710] =	vst v0;
	s16 =	smov.u32 s15;
	s15 =	sadd.s32 $0x40, s15  }
.Ltmp0:
0x13: {  	(pc) =	sbr.rel @p0 .LBB2_2-.Ltmp0, $2  }
0x14: {  	_ =	sdelay $0x2  }
0x15: {  	s16 =	sshra.s32 s16, $0x2  }
0x16: {  	[tilespmem:s16+$0x2710] =	vst v0  }
0x17: {  	[spmem:s5] =	stream.linear.scatter [tilespmem:s10], [sflag:$0x1], $0x1900, $0x38;
	[tilespmem:$0x6720] =	vst v63  }
0x18: {  	_ =	swait.ge [sflag:s9], $0x1900  }
0x19: {  	[sflag:s9] =	ssyncset.done $0x0  }
0x1a: {  	[sflag:s9] =	ssyncadd.s32 $0xFFFFE700  }
0x1b: {  	[spmem:s6] =	stream.linear.scatter [tilespmem:s10], [sflag:$0x1], $0xE10, $0x38;
	[tilespmem:$0x6720] =	vst v63  }
0x1c: {  	_ =	swait.ge [sflag:s9], $0xE10  }
0x1d: {  	[sflag:s9] =	ssyncset.done $0x0  }
0x1e: {  	s15 =	simm.s32 $0x40;
	s16 =	simm.s32 $0x0;
	[sflag:s9] =	ssyncadd.s32 $0xFFFFF1F0  }
.LBB2_4:
0x1f: {  	p0 =	sne.s32 s15, $0x63C0;
	[tilespmem:s16+$0x2710] =	vst v1;
	s16 =	smov.u32 s15;
	s15 =	sadd.s32 $0x40, s15  }
.Ltmp1:
0x20: {  	(pc) =	sbr.rel @p0 .LBB2_4-.Ltmp1, $2  }
0x21: {  	_ =	sdelay $0x2  }
0x22: {  	s16 =	sshra.s32 s16, $0x2  }
0x23: {  	[tilespmem:s16+$0x2710] =	vst v1  }
0x24: {  	s15 =	simm.s32 $0x0;
	[bflag:$0x0] =	sbarrier.arrive $0xFFFF  }
0x25: {  	[spmem:s2] =	stream.indirect.scatter.add.f32 [tilespmem:s10], [sflag:$0x1], $0x10, s15, s11, $0xb8;
	[tilespmem:$0x6720] =	vst v63  }
0x26: {  	_ =	swait.ge [sflag:s9], $0x1900  }
0x27: {  	s15 =	simm.s32 $0x640;
	[sflag:s9] =	ssyncset.done $0x0  }
.LBB2_6:
0x28: {  	s16 =	sshra.s32 s15, $0x2;
	[sflag:s9] =	ssyncadd.s32 $0xFFFFE700;
	p0 =	sne.s32 s15, $0x9600  }
0x29: {  	[spmem:s2] =	stream.indirect.scatter.add.f32 [tilespmem:s10], [sflag:$0x1], $0x10, s16, s11, $0xb8;
	[tilespmem:$0x6720] =	vst v63  }
.Ltmp2:
0x2a: {  	_ = 	snop;
	(pc) =	sbr.rel @p0 .LBB2_6-.Ltmp2, $4  }
0x2b: {  	_ = 	snop  }
0x2c: {  	s15 =	sadd.s32 $0x640, s15  }
0x2d: {  	_ =	swait.ge [sflag:s9], $0x1900  }
0x2e: {  	[sflag:s9] =	ssyncset.done $0x0  }
0x2f: {  	s14 =	sadd.s32 $0x1, s14  }
0x30: {  	[sflag:s9] =	ssyncadd.s32 $0xFFFFE700;
	p0 =	sne.s32 s14, s8  }
.Ltmp3:
0x31: {  	[bflag:$0x0] =	sbarrier.arrive $0xFFFF;
	(pc) =	sbr.rel @p0 .LBB2_1-.Ltmp3, $4  }
0x32: {  	[hbm:s7], [sflag:s12] =	dma.local [spmem:s13], $0x4E2  }
0x33: {  	_ =	swait.ge [sflag:s9], $0x4E2  }
0x34: {  	[sflag:s9] =	ssyncset.done $0x0  }
0x35: {  	[sflag:s9] =	ssyncadd.s32 $0xFFFFFB1E  }
0x36: {  	_ =	sfence.sel $0x180000  }
0x37: {  	[bflag:$0x0] =	sbarrier.arrive $0xFFFF  }
0x38: {  	p0 =	sne.s32 s0, $0x0;
	_ =	strace $0x90000047  }
0x39: {  	s0 =	sadd.s32 @!p0 $0x100000, s1;
	[bflag:$0x2] =	sbarrier.arrive $0xFFFF  }
0x3a: {  	[sflag:s0] =	ssyncadd.tile.s32 @!p0 $0x1;
	_ =	shalt  }
.Lfunc_end2:
_tile_overlayer_lowered:
.L_overlay_start_2:
0x3b: {  	(tag) =	ssettag $0x2  }
0x3c: {  	s0 =	rddreg [dreg:$0x0];
	s2 =	stileid.u32  }
0x3d: {  	s1 =	rddreg [dreg:$0x1];
	p0 =	sne.s32 s2, $0x0  }
0x3e: {  	s3 =	rddreg [dreg:$0x2];
	[bflag:$0x3] =	sbarrier.arrive $0xFFFF;
	s2 =	simm.s32 @!p0 $0x1C01  }
0x3f: {  	[timem:s3], [sflag:s2] =	dma.local @!p0 [hbm:s0], s1  }
0x40: {  	s0 =	simm.s32 @!p0 $0x1  }
0x41: {  	_ =	swait.ge @!p0 [sflag:s0], s1  }
0x42: {  	s1 =	ssub.s32 @!p0 $0x0, s1;
	[sflag:s0] =	ssyncset.done @!p0 $0x0  }
0x43: {  	[sflag:s0] =	ssyncadd.s32 @!p0 s1  }
0x44: {  	[bflag:$0x3] =	sbarrier.arrive $0xFFFF  }
0x45: {  	_ =	shalt  }

</sc_bundles>
